<compile_context>
chip_gen: v7x
topology: tpu7x:2x2x1
jax: 0.10.2.dev20260603
libtpu: 0.0.44.dev20260713+nightly
codegen_flags: <defaults>
</compile_context>

<pallas_src>
import functools

import jax
import jax.numpy as jnp
from jax import lax
from jax.experimental import pallas as pl
from jax.experimental.pallas import tpu as pltpu
from jax.experimental.pallas import tpu_sc as plsc

N_NODES = 10000
N_EDGES = 320000
C = 128

NC = 2
NS = 16
NW = NC * NS
K = 128
G = 2
NCH = 80
NGRP = NCH // G
EPW = K * NCH
EPAD = EPW * NW
NPAD = 10240
RPT = NPAD // NS

_mesh = plsc.VectorSubcoreMesh(
    core_axis_name="c", subcore_axis_name="s", num_cores=NC, num_subcores=NS)


@functools.partial(
    pl.kernel,
    out_type=jax.ShapeDtypeStruct((NC, NPAD), jnp.float32),
    mesh=_mesh,
    scratch_types=[
        pltpu.VMEM((NCH, K), jnp.int32),
        pltpu.VMEM((K,), jnp.float32),
        pltpu.VMEM((RPT,), jnp.float32),
        pltpu.VMEM_SHARED((NPAD,), jnp.float32),
        pltpu.SemaphoreType.DMA,
    ],
)
def _deg_kernel(dst_hbm, deg_out, idx_v, ones_v, zero_v, deg_sh, sem_d):
  c = lax.axis_index("c")
  t = lax.axis_index("s")
  wid = c * NS + t

  pltpu.sync_copy(dst_hbm.at[wid], idx_v)

  @pl.loop(0, K // 16)
  def _(i):
    ones_v[pl.ds(i * 16, 16)] = jnp.ones((16,), jnp.float32)

  @pl.loop(0, RPT // 16)
  def _(i):
    zero_v[pl.ds(i * 16, 16)] = jnp.zeros((16,), jnp.float32)

  pltpu.sync_copy(zero_v, deg_sh.at[pl.ds(t * RPT, RPT)])
  plsc.subcore_barrier()

  @pl.loop(0, NCH)
  def _(j):
    pltpu.async_copy(ones_v, deg_sh.at[idx_v.at[j]], sem_d, add=True)

  @pl.loop(0, NCH)
  def _(j):
    pltpu.make_async_copy(ones_v, deg_sh.at[idx_v.at[0]], sem_d).wait()

  plsc.subcore_barrier()
  pltpu.sync_copy(deg_sh.at[pl.ds(t * RPT, RPT)],
                  deg_out.at[c, pl.ds(t * RPT, RPT)])


def _prep_body(x_ref, w1_ref, degp_ref, hp_ref, dis_ref):
  deg = degp_ref[0] + degp_ref[1] + 1.0
  dis = lax.rsqrt(deg)
  h = jnp.dot(x_ref[...], w1_ref[...], preferred_element_type=jnp.float32)
  hp_ref[...] = h * dis
  dis_ref[...] = dis


def _prep(xp, W1, deg_parts):
  B = 1024
  grid = NPAD // B
  return pl.pallas_call(
      _prep_body,
      grid=(grid,),
      in_specs=[
          pl.BlockSpec((B, C), lambda i: (i, 0)),
          pl.BlockSpec((C, C), lambda i: (0, 0)),
          pl.BlockSpec((NC, B, 1), lambda i: (0, i, 0)),
      ],
      out_specs=[
          pl.BlockSpec((B, C), lambda i: (i, 0)),
          pl.BlockSpec((B, 1), lambda i: (i, 0)),
      ],
      out_shape=[
          jax.ShapeDtypeStruct((NPAD, C), jnp.float32),
          jax.ShapeDtypeStruct((NPAD, 1), jnp.float32),
      ],
  )(xp, W1, deg_parts)


@functools.partial(
    pl.kernel,
    out_type=(
        jax.ShapeDtypeStruct((NC, NPAD, C), jnp.float32),
        jax.ShapeDtypeStruct((NC, NPAD), jnp.float32),
    ),
    mesh=_mesh,
    scratch_types=[
        pltpu.VMEM((4, K), jnp.int32),
        pltpu.VMEM((NCH, K), jnp.int32),
        pltpu.VMEM((2, K), jnp.float32),
        pltpu.VMEM((2, K, C), jnp.float32),
        pltpu.VMEM((RPT,), jnp.float32),
        pltpu.VMEM_SHARED((NPAD, C), jnp.float32),
        pltpu.VMEM_SHARED((NPAD,), jnp.float32),
        pltpu.SemaphoreType.DMA,
        pltpu.SemaphoreType.DMA,
        pltpu.SemaphoreType.DMA,
    ],
)
def _edge_kernel(src_hbm, dst_hbm, hp_hbm, dis_hbm,
                 acc_out, s_out,
                 srcb_v, dst_v, sval_v, rows_v, zero_v,
                 acc_sh, s_sh, sem_g, sem_i, sem_s):
  c = lax.axis_index("c")
  t = lax.axis_index("s")
  wid = c * NS + t

  pltpu.sync_copy(dst_hbm.at[wid], dst_v)

  @pl.loop(0, K)
  def _(i):
    for j in range(C // 16):
      rows_v[0, i, pl.ds(j * 16, 16)] = jnp.zeros((16,), jnp.float32)

  @pl.loop(0, RPT // 16)
  def _(i):
    zero_v[pl.ds(i * 16, 16)] = jnp.zeros((16,), jnp.float32)

  @pl.loop(0, RPT // K)
  def _(i):
    pltpu.sync_copy(rows_v.at[0], acc_sh.at[pl.ds(t * RPT + i * K, K)])

  pltpu.sync_copy(zero_v, s_sh.at[pl.ds(t * RPT, RPT)])
  pltpu.sync_copy(src_hbm.at[wid, 0], srcb_v.at[0])

  plsc.subcore_barrier()

  def _gather(j, b, sb):
    pltpu.async_copy(hp_hbm.at[srcb_v.at[sb]], rows_v.at[b], sem_g)
    pltpu.async_copy(dis_hbm.at[dst_v.at[j]], sval_v.at[b], sem_g)

  def _wait_gather(b):
    pltpu.make_async_copy(hp_hbm.at[srcb_v.at[0]], rows_v.at[b], sem_g).wait()
    pltpu.make_async_copy(dis_hbm.at[dst_v.at[0]], sval_v.at[b], sem_g).wait()

  def _scatter(j, b, sb):
    pltpu.async_copy(rows_v.at[b], acc_sh.at[dst_v.at[j]], sem_s, add=True)
    pltpu.async_copy(sval_v.at[b], s_sh.at[srcb_v.at[sb]], sem_s, add=True)

  def _wait_scatter(b):
    pltpu.make_async_copy(rows_v.at[b], acc_sh.at[dst_v.at[0]], sem_s).wait()
    pltpu.make_async_copy(sval_v.at[b], s_sh.at[srcb_v.at[0]], sem_s).wait()

  def _step(jj, p):
    j = jj + p
    b = p % 2
    _wait_gather(b)

    if p > 0:
      _wait_scatter(1 - b)
    else:
      @pl.when(jj > 0)
      def _():
        _wait_scatter(1 - b)

    @pl.when(j + 1 < NCH)
    def _():
      pltpu.make_async_copy(src_hbm.at[wid, 0],
                            srcb_v.at[(p + 1) % 4], sem_i).wait()
      _gather(j + 1, 1 - b, (p + 1) % 4)

    _scatter(j, b, p % 4)

    @pl.when(j + 2 < NCH)
    def _():
      pltpu.async_copy(src_hbm.at[wid, j + 2], srcb_v.at[(p + 2) % 4], sem_i)

  _gather(0, 0, 0)
  pltpu.async_copy(src_hbm.at[wid, 1], srcb_v.at[1], sem_i)

  @pl.loop(0, NCH, step=4)
  def _(jj):
    for p in range(4):
      _step(jj, p)

  _wait_scatter(1)

  plsc.subcore_barrier()
  pltpu.sync_copy(acc_sh.at[pl.ds(t * RPT, RPT)],
                  acc_out.at[c, pl.ds(t * RPT, RPT)])
  pltpu.sync_copy(s_sh.at[pl.ds(t * RPT, RPT)],
                  s_out.at[c, pl.ds(t * RPT, RPT)])


def _final_body(hp_ref, dis_ref, acc_ref, s_ref, b1_ref, w2_ref, b2_ref,
                out_ref, pool_ref):
  b = pl.program_id(0)
  nb = pl.num_programs(0)
  B = hp_ref.shape[0]

  dis = dis_ref[...]
  a = acc_ref[0] + acc_ref[1] + hp_ref[...]
  h1 = dis * a + b1_ref[...]
  r = jnp.maximum(h1, 0.0)
  w = dis * (s_ref[0] + s_ref[1] + dis)
  node = b * B + lax.broadcasted_iota(jnp.int32, (B, 1), 0)
  w = jnp.where(node < N_NODES, w, 0.0)
  part = jnp.sum(w * r, axis=0, keepdims=True)

  @pl.when(b == 0)
  def _():
    pool_ref[...] = jnp.zeros_like(pool_ref)

  pool_ref[...] += part

  @pl.when(b == nb - 1)
  def _():
    pooled = pool_ref[...] * (1.0 / N_NODES)
    out_ref[...] = jnp.dot(pooled, w2_ref[...],
                           preferred_element_type=jnp.float32) + b2_ref[...]


def _final(hp, dis, acc_parts, s_parts, b1, W2, b2):
  B = 1024
  grid = NPAD // B
  return pl.pallas_call(
      _final_body,
      grid=(grid,),
      in_specs=[
          pl.BlockSpec((B, C), lambda i: (i, 0)),
          pl.BlockSpec((B, 1), lambda i: (i, 0)),
          pl.BlockSpec((NC, B, C), lambda i: (0, i, 0)),
          pl.BlockSpec((NC, B, 1), lambda i: (0, i, 0)),
          pl.BlockSpec((1, C), lambda i: (0, 0)),
          pl.BlockSpec((C, C), lambda i: (0, 0)),
          pl.BlockSpec((1, C), lambda i: (0, 0)),
      ],
      out_specs=pl.BlockSpec((1, C), lambda i: (0, 0)),
      out_shape=jax.ShapeDtypeStruct((1, C), jnp.float32),
      scratch_shapes=[pltpu.VMEM((1, C), jnp.float32)],
  )(hp, dis, acc_parts, s_parts, b1, W2, b2)


def kernel(x, edge_index, W1, b1, W2, b2):
  src = edge_index[0].astype(jnp.int32)
  dst = edge_index[1].astype(jnp.int32)

  npadded = EPAD - N_EDGES
  pad_idx = N_NODES + (jnp.arange(npadded, dtype=jnp.int32) % (NPAD - N_NODES))
  srcp = jnp.concatenate([src, pad_idx]).reshape(NW, NCH, K)
  dstp = jnp.concatenate([dst, pad_idx]).reshape(NW, NCH, K)

  xp = jnp.pad(x, ((0, NPAD - N_NODES), (0, 0)))

  deg_parts = _deg_kernel(dstp)
  hp, dis = _prep(xp, W1, deg_parts.reshape(NC, NPAD, 1))
  acc_parts, s_parts = _edge_kernel(srcp, dstp, hp, dis.reshape(NPAD))
  return _final(hp, dis, acc_parts, s_parts.reshape(NC, NPAD, 1),
                b1.reshape(1, C), W2, b2.reshape(1, C))

# --- scband reference (transcript-rebuilt; emitter-appended) ---
"""Pipeline reference for scband-graph-level-gnn-49795850830443 (READ-ONLY COPY).

The authoritative reference and input builder live on the scoring server;
editing this copy changes nothing except your own understanding.
"""

import jax, jax.numpy as jnp
import numpy as np

IN_C = 128
HID_C = 128
OUT_C = 128
N_NODES = 10000
N_EDGES = 320000


def setup_inputs(seed: int = 0) -> dict:
    key = jax.random.key(seed)
    k_x, k_e, k_w1, k_w2 = jax.random.split(key, 4)
    x = jax.random.normal(k_x, (N_NODES, IN_C), dtype=jnp.float32)
    edge_index = jax.random.randint(k_e, (2, N_EDGES), 0, N_NODES, dtype=jnp.int64)
    W1 = jax.random.normal(k_w1, (IN_C, HID_C), dtype=jnp.float32) * (1.0 / np.sqrt(IN_C))
    b1 = jnp.zeros((HID_C,), dtype=jnp.float32)
    W2 = jax.random.normal(k_w2, (HID_C, OUT_C), dtype=jnp.float32) * (1.0 / np.sqrt(HID_C))
    b2 = jnp.zeros((OUT_C,), dtype=jnp.float32)
    return {"x": x, "edge_index": edge_index, "W1": W1, "b1": b1, "W2": W2, "b2": b2}


def gcn_conv(x, edge_index, W, b):
    # GCNConv: symmetric normalization with added self-loops
    N = x.shape[0]
    loop = jnp.arange(N, dtype=edge_index.dtype)
    src = jnp.concatenate([edge_index[0], loop])
    dst = jnp.concatenate([edge_index[1], loop])
    h = x @ W
    deg = jnp.zeros((N,), dtype=h.dtype).at[dst].add(1.0)
    deg_inv_sqrt = jnp.where(deg > 0, deg ** -0.5, 0.0)
    norm = deg_inv_sqrt[src] * deg_inv_sqrt[dst]
    msgs = h[src] * norm[:, None]
    out = jnp.zeros_like(h).at[dst].add(msgs)
    return out + b


def reference(x, edge_index, W1, b1, W2, b2):
    h = gcn_conv(x, edge_index, W1, b1)
    h = jax.nn.relu(h)
    h = gcn_conv(h, edge_index, W2, b2)
    # global_mean_pool with batch=None -> mean over all nodes, shape [1, out_channels]
    return jnp.mean(h, axis=0, keepdims=True)

if __name__ == "__main__":
    import jax
    _d = setup_inputs()
    print(jax.jit(kernel)(*tuple(_d.values())))

</pallas_src>

<mosaic_0001>
#map = affine_map<(d0, d1) -> (0, 0, 0)>
#map1 = affine_map<(d0, d1) -> (0, 0)>
#map2 = affine_map<(d0, d1) -> (0)>
module attributes {stable_mosaic.version = 14 : i64} {
  func.func @_edge_kernel(%arg0: i32, %arg1: i32, %arg2: memref<32x80x128xi32, #tpu.memory_space<hbm>>, %arg3: memref<32x80x128xi32, #tpu.memory_space<hbm>>, %arg4: memref<10240x128xf32, #tpu.memory_space<hbm>>, %arg5: memref<10240xf32, #tpu.memory_space<hbm>>, %arg6: memref<2x10240x128xf32, #tpu.memory_space<hbm>>, %arg7: memref<2x10240xf32, #tpu.memory_space<hbm>>, %arg8: memref<4x128xi32, #tpu.memory_space<vmem>>, %arg9: memref<80x128xi32, #tpu.memory_space<vmem>>, %arg10: memref<2x128xf32, #tpu.memory_space<vmem>>, %arg11: memref<2x128x128xf32, #tpu.memory_space<vmem>>, %arg12: memref<640xf32, #tpu.memory_space<vmem>>, %arg13: memref<10240x128xf32, #tpu.memory_space<vmem_shared>>, %arg14: memref<10240xf32, #tpu.memory_space<vmem_shared>>, %arg15: memref<!tpu.dma_semaphore, #tpu.memory_space<semaphore_mem>>, %arg16: memref<!tpu.dma_semaphore, #tpu.memory_space<semaphore_mem>>, %arg17: memref<!tpu.dma_semaphore, #tpu.memory_space<semaphore_mem>>) attributes {dimension_semantics = [#tpu.dimension_semantics<core_parallel>, #tpu.dimension_semantics<subcore_parallel>], iteration_bounds = array<i64: 2, 16>, scalar_prefetch = 0 : i64, scratch_operands = 10 : i64, tpu.core_type = #tpu.core_type<sc_vector_subcore>, window_params = [{transform_indices = #map}, {transform_indices = #map}, {transform_indices = #map1}, {transform_indices = #map2}, {transform_indices = #map}, {transform_indices = #map1}]} {
    %mul3A = arith.constant 16 : i32
    %mul3A_0 = arith.muli %arg0, %mul3A : i32
    %add3A = arith.addi %mul3A_0, %arg1 : i32
    "tpu.region"() ({
      %run_scoped3A_88 = tpu.sem_alloc : memref<!tpu.dma_semaphore, #tpu.memory_space<semaphore_mem>>
      %dma_start3A_89 = arith.constant 0 : i32
      %dma_start3A_90 = arith.constant 0 : i32
      %dma_start3A_91 = tpu.memref_slice %arg3[%add3A, %dma_start3A_89, %dma_start3A_90] : memref<32x80x128xi32, #tpu.memory_space<hbm>> -> memref<1x80x128xi32, #tpu.memory_space<hbm>>
      %dma_start3A_92 = tpu.memref_squeeze %dma_start3A_91 : memref<1x80x128xi32, #tpu.memory_space<hbm>> -> memref<80x128xi32, #tpu.memory_space<hbm>>
      %dma_start3A_93 = arith.constant 0 : i32
      %dma_start3A_94 = arith.constant 0 : i32
      %dma_start3A_95 = tpu.memref_slice %arg3[%add3A, %dma_start3A_93, %dma_start3A_94] : memref<32x80x128xi32, #tpu.memory_space<hbm>> -> memref<1x80x128xi32, #tpu.memory_space<hbm>>
      %dma_start3A_96 = tpu.memref_squeeze %dma_start3A_95 : memref<1x80x128xi32, #tpu.memory_space<hbm>> -> memref<80x128xi32, #tpu.memory_space<hbm>>
      tpu.enqueue_dma source(%dma_start3A_96 : memref<80x128xi32, #tpu.memory_space<hbm>>) target(%arg9 : memref<80x128xi32, #tpu.memory_space<vmem>>) target_semaphore(%run_scoped3A_88 : memref<!tpu.dma_semaphore, #tpu.memory_space<semaphore_mem>>)
      %dma_wait3A_97 = arith.constant 0 : i32
      %dma_wait3A_98 = arith.constant 0 : i32
      %dma_wait3A_99 = tpu.memref_slice %arg3[%add3A, %dma_wait3A_97, %dma_wait3A_98] : memref<32x80x128xi32, #tpu.memory_space<hbm>> -> memref<1x80x128xi32, #tpu.memory_space<hbm>>
      %dma_wait3A_100 = tpu.memref_squeeze %dma_wait3A_99 : memref<1x80x128xi32, #tpu.memory_space<hbm>> -> memref<80x128xi32, #tpu.memory_space<hbm>>
      %dma_wait3A_101 = arith.constant 0 : i32
      %dma_wait3A_102 = arith.constant 0 : i32
      %dma_wait3A_103 = tpu.memref_slice %arg3[%add3A, %dma_wait3A_101, %dma_wait3A_102] : memref<32x80x128xi32, #tpu.memory_space<hbm>> -> memref<1x80x128xi32, #tpu.memory_space<hbm>>
      %dma_wait3A_104 = tpu.memref_squeeze %dma_wait3A_103 : memref<1x80x128xi32, #tpu.memory_space<hbm>> -> memref<80x128xi32, #tpu.memory_space<hbm>>
      tpu.wait_dma2 semaphore(%run_scoped3A_88 : memref<!tpu.dma_semaphore, #tpu.memory_space<semaphore_mem>>) src(%dma_wait3A_104 : memref<80x128xi32, #tpu.memory_space<hbm>>) dst(%arg9 : memref<80x128xi32, #tpu.memory_space<vmem>>)
      tpu.yield
    }) : () -> ()
    %scan3A = arith.constant 0 : i32
    %scan3A_1 = arith.constant 128 : i32
    %scan3A_2 = arith.addi %scan3A, %scan3A_1 : i32
    %scan3A_3 = arith.constant 1 : i32
    scf.for %scan3A_88 = %scan3A to %scan3A_2 step %scan3A_3  : i32 {
      %mul3A_89 = arith.constant 1 : i32
      %mul3A_90 = arith.muli %scan3A_88, %mul3A_89 : i32
      %add3A_91 = arith.constant 0 : i32
      %add3A_92 = arith.addi %add3A_91, %mul3A_90 : i32
      %broadcast_in_dim3A = arith.constant 0.000000e+00 : f32
      %broadcast_in_dim3A_93 = vector.broadcast %broadcast_in_dim3A : f32 to vector<16xf32>
      %swap3A = arith.constant 0 : i32
      %swap3A_94 = arith.index_cast %swap3A : i32 to index
      %swap3A_95 = arith.index_cast %add3A_92 : i32 to index
      %swap3A_96 = arith.constant 0 : index
      %swap3A_97 = tpu.vector_load %arg11[%swap3A_94, %swap3A_95, %swap3A_96] {strides = array<i32>} : memref<2x128x128xf32, #tpu.memory_space<vmem>>, vector<1x1x16xf32>,
      %swap3A_98 = vector.shape_cast %swap3A_97 : vector<1x1x16xf32> to vector<16xf32>
      %swap3A_99 = vector.shape_cast %broadcast_in_dim3A_93 : vector<16xf32> to vector<1x1x16xf32>
      tpu.vector_store %arg11[%swap3A_94, %swap3A_95, %swap3A_96], %swap3A_99 {strides = array<i32>} : memref<2x128x128xf32, #tpu.memory_space<vmem>>, vector<1x1x16xf32>,
      %broadcast_in_dim3A_100 = arith.constant 0.000000e+00 : f32
      %broadcast_in_dim3A_101 = vector.broadcast %broadcast_in_dim3A_100 : f32 to vector<16xf32>
      %swap3A_102 = arith.constant 0 : i32
      %swap3A_103 = arith.index_cast %swap3A_102 : i32 to index
      %swap3A_104 = arith.index_cast %add3A_92 : i32 to index
      %swap3A_105 = arith.constant 16 : index
      %swap3A_106 = tpu.vector_load %arg11[%swap3A_103, %swap3A_104, %swap3A_105] {strides = array<i32>} : memref<2x128x128xf32, #tpu.memory_space<vmem>>, vector<1x1x16xf32>,
      %swap3A_107 = vector.shape_cast %swap3A_106 : vector<1x1x16xf32> to vector<16xf32>
      %swap3A_108 = vector.shape_cast %broadcast_in_dim3A_101 : vector<16xf32> to vector<1x1x16xf32>
      tpu.vector_store %arg11[%swap3A_103, %swap3A_104, %swap3A_105], %swap3A_108 {strides = array<i32>} : memref<2x128x128xf32, #tpu.memory_space<vmem>>, vector<1x1x16xf32>,
      %broadcast_in_dim3A_109 = arith.constant 0.000000e+00 : f32
      %broadcast_in_dim3A_110 = vector.broadcast %broadcast_in_dim3A_109 : f32 to vector<16xf32>
      %swap3A_111 = arith.constant 0 : i32
      %swap3A_112 = arith.index_cast %swap3A_111 : i32 to index
      %swap3A_113 = arith.index_cast %add3A_92 : i32 to index
      %swap3A_114 = arith.constant 32 : index
      %swap3A_115 = tpu.vector_load %arg11[%swap3A_112, %swap3A_113, %swap3A_114] {strides = array<i32>} : memref<2x128x128xf32, #tpu.memory_space<vmem>>, vector<1x1x16xf32>,
      %swap3A_116 = vector.shape_cast %swap3A_115 : vector<1x1x16xf32> to vector<16xf32>
      %swap3A_117 = vector.shape_cast %broadcast_in_dim3A_110 : vector<16xf32> to vector<1x1x16xf32>
      tpu.vector_store %arg11[%swap3A_112, %swap3A_113, %swap3A_114], %swap3A_117 {strides = array<i32>} : memref<2x128x128xf32, #tpu.memory_space<vmem>>, vector<1x1x16xf32>,
      %broadcast_in_dim3A_118 = arith.constant 0.000000e+00 : f32
      %broadcast_in_dim3A_119 = vector.broadcast %broadcast_in_dim3A_118 : f32 to vector<16xf32>
      %swap3A_120 = arith.constant 0 : i32
      %swap3A_121 = arith.index_cast %swap3A_120 : i32 to index
      %swap3A_122 = arith.index_cast %add3A_92 : i32 to index
      %swap3A_123 = arith.constant 48 : index
      %swap3A_124 = tpu.vector_load %arg11[%swap3A_121, %swap3A_122, %swap3A_123] {strides = array<i32>} : memref<2x128x128xf32, #tpu.memory_space<vmem>>, vector<1x1x16xf32>,
      %swap3A_125 = vector.shape_cast %swap3A_124 : vector<1x1x16xf32> to vector<16xf32>
      %swap3A_126 = vector.shape_cast %broadcast_in_dim3A_119 : vector<16xf32> to vector<1x1x16xf32>
      tpu.vector_store %arg11[%swap3A_121, %swap3A_122, %swap3A_123], %swap3A_126 {strides = array<i32>} : memref<2x128x128xf32, #tpu.memory_space<vmem>>, vector<1x1x16xf32>,
      %broadcast_in_dim3A_127 = arith.constant 0.000000e+00 : f32
      %broadcast_in_dim3A_128 = vector.broadcast %broadcast_in_dim3A_127 : f32 to vector<16xf32>
      %swap3A_129 = arith.constant 0 : i32
      %swap3A_130 = arith.index_cast %swap3A_129 : i32 to index
      %swap3A_131 = arith.index_cast %add3A_92 : i32 to index
      %swap3A_132 = arith.constant 64 : index
      %swap3A_133 = tpu.vector_load %arg11[%swap3A_130, %swap3A_131, %swap3A_132] {strides = array<i32>} : memref<2x128x128xf32, #tpu.memory_space<vmem>>, vector<1x1x16xf32>,
      %swap3A_134 = vector.shape_cast %swap3A_133 : vector<1x1x16xf32> to vector<16xf32>
      %swap3A_135 = vector.shape_cast %broadcast_in_dim3A_128 : vector<16xf32> to vector<1x1x16xf32>
      tpu.vector_store %arg11[%swap3A_130, %swap3A_131, %swap3A_132], %swap3A_135 {strides = array<i32>} : memref<2x128x128xf32, #tpu.memory_space<vmem>>, vector<1x1x16xf32>,
      %broadcast_in_dim3A_136 = arith.constant 0.000000e+00 : f32
      %broadcast_in_dim3A_137 = vector.broadcast %broadcast_in_dim3A_136 : f32 to vector<16xf32>
      %swap3A_138 = arith.constant 0 : i32
      %swap3A_139 = arith.index_cast %swap3A_138 : i32 to index
      %swap3A_140 = arith.index_cast %add3A_92 : i32 to index
      %swap3A_141 = arith.constant 80 : index
      %swap3A_142 = tpu.vector_load %arg11[%swap3A_139, %swap3A_140, %swap3A_141] {strides = array<i32>} : memref<2x128x128xf32, #tpu.memory_space<vmem>>, vector<1x1x16xf32>,
      %swap3A_143 = vector.shape_cast %swap3A_142 : vector<1x1x16xf32> to vector<16xf32>
      %swap3A_144 = vector.shape_cast %broadcast_in_dim3A_137 : vector<16xf32> to vector<1x1x16xf32>
      tpu.vector_store %arg11[%swap3A_139, %swap3A_140, %swap3A_141], %swap3A_144 {strides = array<i32>} : memref<2x128x128xf32, #tpu.memory_space<vmem>>, vector<1x1x16xf32>,
      %broadcast_in_dim3A_145 = arith.constant 0.000000e+00 : f32
      %broadcast_in_dim3A_146 = vector.broadcast %broadcast_in_dim3A_145 : f32 to vector<16xf32>
      %swap3A_147 = arith.constant 0 : i32
      %swap3A_148 = arith.index_cast %swap3A_147 : i32 to index
      %swap3A_149 = arith.index_cast %add3A_92 : i32 to index
      %swap3A_150 = arith.constant 96 : index
      %swap3A_151 = tpu.vector_load %arg11[%swap3A_148, %swap3A_149, %swap3A_150] {strides = array<i32>} : memref<2x128x128xf32, #tpu.memory_space<vmem>>, vector<1x1x16xf32>,
      %swap3A_152 = vector.shape_cast %swap3A_151 : vector<1x1x16xf32> to vector<16xf32>
      %swap3A_153 = vector.shape_cast %broadcast_in_dim3A_146 : vector<16xf32> to vector<1x1x16xf32>
      tpu.vector_store %arg11[%swap3A_148, %swap3A_149, %swap3A_150], %swap3A_153 {strides = array<i32>} : memref<2x128x128xf32, #tpu.memory_space<vmem>>, vector<1x1x16xf32>,
      %broadcast_in_dim3A_154 = arith.constant 0.000000e+00 : f32
      %broadcast_in_dim3A_155 = vector.broadcast %broadcast_in_dim3A_154 : f32 to vector<16xf32>
      %swap3A_156 = arith.constant 0 : i32
      %swap3A_157 = arith.index_cast %swap3A_156 : i32 to index
      %swap3A_158 = arith.index_cast %add3A_92 : i32 to index
      %swap3A_159 = arith.constant 112 : index
      %swap3A_160 = tpu.vector_load %arg11[%swap3A_157, %swap3A_158, %swap3A_159] {strides = array<i32>} : memref<2x128x128xf32, #tpu.memory_space<vmem>>, vector<1x1x16xf32>,
      %swap3A_161 = vector.shape_cast %swap3A_160 : vector<1x1x16xf32> to vector<16xf32>
      %swap3A_162 = vector.shape_cast %broadcast_in_dim3A_155 : vector<16xf32> to vector<1x1x16xf32>
      tpu.vector_store %arg11[%swap3A_157, %swap3A_158, %swap3A_159], %swap3A_162 {strides = array<i32>} : memref<2x128x128xf32, #tpu.memory_space<vmem>>, vector<1x1x16xf32>,
    }
    %scan3A_4 = arith.constant 128 : i32
    %scan3A_5 = arith.constant 0 : i32
    %scan3A_6 = arith.constant 40 : i32
    %scan3A_7 = arith.addi %scan3A_5, %scan3A_6 : i32
    %scan3A_8 = arith.constant 1 : i32
    scf.for %scan3A_88 = %scan3A_5 to %scan3A_7 step %scan3A_8  : i32 {
      %mul3A_89 = arith.constant 1 : i32
      %mul3A_90 = arith.muli %scan3A_88, %mul3A_89 : i32
      %add3A_91 = arith.constant 0 : i32
      %add3A_92 = arith.addi %add3A_91, %mul3A_90 : i32
      %broadcast_in_dim3A = arith.constant 0.000000e+00 : f32
      %broadcast_in_dim3A_93 = vector.broadcast %broadcast_in_dim3A : f32 to vector<16xf32>
      %mul3A_94 = arith.constant 16 : i32
      %mul3A_95 = arith.muli %add3A_92, %mul3A_94 : i32
      %swap3A = arith.index_cast %mul3A_95 : i32 to index
      %swap3A_96 = tpu.vector_load %arg12[%swap3A] {strides = array<i32>} : memref<640xf32, #tpu.memory_space<vmem>>, vector<16xf32>,
      %swap3A_97 = vector.shape_cast %swap3A_96 : vector<16xf32> to vector<16xf32>
      %swap3A_98 = vector.shape_cast %broadcast_in_dim3A_93 : vector<16xf32> to vector<16xf32>
      tpu.vector_store %arg12[%swap3A], %swap3A_98 {strides = array<i32>} : memref<640xf32, #tpu.memory_space<vmem>>, vector<16xf32>,
    }
    %scan3A_9 = arith.constant 40 : i32
    %scan3A_10 = arith.constant 0 : i32
    %scan3A_11 = arith.constant 5 : i32
    %scan3A_12 = arith.addi %scan3A_10, %scan3A_11 : i32
    %scan3A_13 = arith.constant 1 : i32
    scf.for %scan3A_88 = %scan3A_10 to %scan3A_12 step %scan3A_13  : i32 {
      %mul3A_89 = arith.constant 1 : i32
      %mul3A_90 = arith.muli %scan3A_88, %mul3A_89 : i32
      %add3A_91 = arith.constant 0 : i32
      %add3A_92 = arith.addi %add3A_91, %mul3A_90 : i32
      %mul3A_93 = arith.constant 640 : i32
      %mul3A_94 = arith.muli %arg1, %mul3A_93 : i32
      %mul3A_95 = arith.constant 128 : i32
      %mul3A_96 = arith.muli %add3A_92, %mul3A_95 : i32
      %add3A_97 = arith.addi %mul3A_94, %mul3A_96 : i32
      %run_scoped3A_98 = arith.constant 0 : i32
      "tpu.region"() ({
        %run_scoped3A_99 = tpu.sem_alloc : memref<!tpu.dma_semaphore, #tpu.memory_space<semaphore_mem>>
        %dma_start3A_100 = arith.constant 0 : i32
        %dma_start3A_101 = arith.constant 0 : i32
        %dma_start3A_102 = tpu.memref_slice %arg11[%run_scoped3A_98, %dma_start3A_100, %dma_start3A_101] : memref<2x128x128xf32, #tpu.memory_space<vmem>> -> memref<1x128x128xf32, #tpu.memory_space<vmem>>
        %dma_start3A_103 = tpu.memref_squeeze %dma_start3A_102 : memref<1x128x128xf32, #tpu.memory_space<vmem>> -> memref<128x128xf32, #tpu.memory_space<vmem>>
        %dma_start3A_104 = arith.constant 0 : i32
        %dma_start3A_105 = tpu.memref_slice %arg13[%add3A_97, %dma_start3A_104] : memref<10240x128xf32, #tpu.memory_space<vmem_shared>> -> memref<128x128xf32, #tpu.memory_space<vmem_shared>>
        %dma_start3A_106 = arith.constant 0 : i32
        %dma_start3A_107 = tpu.memref_slice %arg13[%add3A_97, %dma_start3A_106] : memref<10240x128xf32, #tpu.memory_space<vmem_shared>> -> memref<128x128xf32, #tpu.memory_space<vmem_shared>>
        %dma_start3A_108 = arith.constant 0 : i32
        %dma_start3A_109 = arith.constant 0 : i32
        %dma_start3A_110 = tpu.memref_slice %arg11[%run_scoped3A_98, %dma_start3A_108, %dma_start3A_109] : memref<2x128x128xf32, #tpu.memory_space<vmem>> -> memref<1x128x128xf32, #tpu.memory_space<vmem>>
        %dma_start3A_111 = tpu.memref_squeeze %dma_start3A_110 : memref<1x128x128xf32, #tpu.memory_space<vmem>> -> memref<128x128xf32, #tpu.memory_space<vmem>>
        tpu.enqueue_dma source(%dma_start3A_111 : memref<128x128xf32, #tpu.memory_space<vmem>>) target(%dma_start3A_107 : memref<128x128xf32, #tpu.memory_space<vmem_shared>>) target_semaphore(%run_scoped3A_99 : memref<!tpu.dma_semaphore, #tpu.memory_space<semaphore_mem>>)
        %dma_wait3A_112 = arith.constant 0 : i32
        %dma_wait3A_113 = arith.constant 0 : i32
        %dma_wait3A_114 = tpu.memref_slice %arg11[%run_scoped3A_98, %dma_wait3A_112, %dma_wait3A_113] : memref<2x128x128xf32, #tpu.memory_space<vmem>> -> memref<1x128x128xf32, #tpu.memory_space<vmem>>
        %dma_wait3A_115 = tpu.memref_squeeze %dma_wait3A_114 : memref<1x128x128xf32, #tpu.memory_space<vmem>> -> memref<128x128xf32, #tpu.memory_space<vmem>>
        %dma_wait3A_116 = arith.constant 0 : i32
        %dma_wait3A_117 = tpu.memref_slice %arg13[%add3A_97, %dma_wait3A_116] : memref<10240x128xf32, #tpu.memory_space<vmem_shared>> -> memref<128x128xf32, #tpu.memory_space<vmem_shared>>
        %dma_wait3A_118 = arith.constant 0 : i32
        %dma_wait3A_119 = tpu.memref_slice %arg13[%add3A_97, %dma_wait3A_118] : memref<10240x128xf32, #tpu.memory_space<vmem_shared>> -> memref<128x128xf32, #tpu.memory_space<vmem_shared>>
        %dma_wait3A_120 = arith.constant 0 : i32
        %dma_wait3A_121 = arith.constant 0 : i32
        %dma_wait3A_122 = tpu.memref_slice %arg11[%run_scoped3A_98, %dma_wait3A_120, %dma_wait3A_121] : memref<2x128x128xf32, #tpu.memory_space<vmem>> -> memref<1x128x128xf32, #tpu.memory_space<vmem>>
        %dma_wait3A_123 = tpu.memref_squeeze %dma_wait3A_122 : memref<1x128x128xf32, #tpu.memory_space<vmem>> -> memref<128x128xf32, #tpu.memory_space<vmem>>
        tpu.wait_dma2 semaphore(%run_scoped3A_99 : memref<!tpu.dma_semaphore, #tpu.memory_space<semaphore_mem>>) src(%dma_wait3A_123 : memref<128x128xf32, #tpu.memory_space<vmem>>) dst(%dma_wait3A_119 : memref<128x128xf32, #tpu.memory_space<vmem_shared>>)
        tpu.yield
      }) : () -> ()
    }
    %scan3A_14 = arith.constant 5 : i32
    %mul3A_15 = arith.constant 640 : i32
    %mul3A_16 = arith.muli %arg1, %mul3A_15 : i32
    "tpu.region"() ({
      %run_scoped3A_88 = tpu.sem_alloc : memref<!tpu.dma_semaphore, #tpu.memory_space<semaphore_mem>>
      %dma_start3A_89 = tpu.memref_slice %arg14[%mul3A_16] : memref<10240xf32, #tpu.memory_space<vmem_shared>> -> memref<640xf32, #tpu.memory_space<vmem_shared>>
      %dma_start3A_90 = tpu.memref_slice %arg14[%mul3A_16] : memref<10240xf32, #tpu.memory_space<vmem_shared>> -> memref<640xf32, #tpu.memory_space<vmem_shared>>
      tpu.enqueue_dma source(%arg12 : memref<640xf32, #tpu.memory_space<vmem>>) target(%dma_start3A_90 : memref<640xf32, #tpu.memory_space<vmem_shared>>) target_semaphore(%run_scoped3A_88 : memref<!tpu.dma_semaphore, #tpu.memory_space<semaphore_mem>>)
      %dma_wait3A_91 = tpu.memref_slice %arg14[%mul3A_16] : memref<10240xf32, #tpu.memory_space<vmem_shared>> -> memref<640xf32, #tpu.memory_space<vmem_shared>>
      %dma_wait3A_92 = tpu.memref_slice %arg14[%mul3A_16] : memref<10240xf32, #tpu.memory_space<vmem_shared>> -> memref<640xf32, #tpu.memory_space<vmem_shared>>
      tpu.wait_dma2 semaphore(%run_scoped3A_88 : memref<!tpu.dma_semaphore, #tpu.memory_space<semaphore_mem>>) src(%arg12 : memref<640xf32, #tpu.memory_space<vmem>>) dst(%dma_wait3A_92 : memref<640xf32, #tpu.memory_space<vmem_shared>>)
      tpu.yield
    }) : () -> ()
    %run_scoped3A = arith.constant 0 : i32
    %run_scoped3A_17 = arith.constant 0 : i32
    "tpu.region"() ({
      %run_scoped3A_88 = tpu.sem_alloc : memref<!tpu.dma_semaphore, #tpu.memory_space<semaphore_mem>>
      %dma_start3A_89 = arith.constant 0 : i32
      %dma_start3A_90 = tpu.memref_slice %arg8[%run_scoped3A_17, %dma_start3A_89] : memref<4x128xi32, #tpu.memory_space<vmem>> -> memref<1x128xi32, #tpu.memory_space<vmem>>
      %dma_start3A_91 = tpu.memref_squeeze %dma_start3A_90 : memref<1x128xi32, #tpu.memory_space<vmem>> -> memref<128xi32, #tpu.memory_space<vmem>>
      %dma_start3A_92 = arith.constant 0 : i32
      %dma_start3A_93 = tpu.memref_slice %arg2[%add3A, %run_scoped3A, %dma_start3A_92] : memref<32x80x128xi32, #tpu.memory_space<hbm>> -> memref<1x1x128xi32, #tpu.memory_space<hbm>>
      %dma_start3A_94 = tpu.memref_squeeze %dma_start3A_93 : memref<1x1x128xi32, #tpu.memory_space<hbm>> -> memref<128xi32, #tpu.memory_space<hbm>>
      %dma_start3A_95 = arith.constant 0 : i32
      %dma_start3A_96 = tpu.memref_slice %arg8[%run_scoped3A_17, %dma_start3A_95] : memref<4x128xi32, #tpu.memory_space<vmem>> -> memref<1x128xi32, #tpu.memory_space<vmem>>
      %dma_start3A_97 = tpu.memref_squeeze %dma_start3A_96 : memref<1x128xi32, #tpu.memory_space<vmem>> -> memref<128xi32, #tpu.memory_space<vmem>>
      %dma_start3A_98 = arith.constant 0 : i32
      %dma_start3A_99 = tpu.memref_slice %arg2[%add3A, %run_scoped3A, %dma_start3A_98] : memref<32x80x128xi32, #tpu.memory_space<hbm>> -> memref<1x1x128xi32, #tpu.memory_space<hbm>>
      %dma_start3A_100 = tpu.memref_squeeze %dma_start3A_99 : memref<1x1x128xi32, #tpu.memory_space<hbm>> -> memref<128xi32, #tpu.memory_space<hbm>>
      tpu.enqueue_dma source(%dma_start3A_100 : memref<128xi32, #tpu.memory_space<hbm>>) target(%dma_start3A_97 : memref<128xi32, #tpu.memory_space<vmem>>) target_semaphore(%run_scoped3A_88 : memref<!tpu.dma_semaphore, #tpu.memory_space<semaphore_mem>>)
      %dma_wait3A_101 = arith.constant 0 : i32
      %dma_wait3A_102 = tpu.memref_slice %arg8[%run_scoped3A_17, %dma_wait3A_101] : memref<4x128xi32, #tpu.memory_space<vmem>> -> memref<1x128xi32, #tpu.memory_space<vmem>>
      %dma_wait3A_103 = tpu.memref_squeeze %dma_wait3A_102 : memref<1x128xi32, #tpu.memory_space<vmem>> -> memref<128xi32, #tpu.memory_space<vmem>>
      %dma_wait3A_104 = arith.constant 0 : i32
      %dma_wait3A_105 = tpu.memref_slice %arg2[%add3A, %run_scoped3A, %dma_wait3A_104] : memref<32x80x128xi32, #tpu.memory_space<hbm>> -> memref<1x1x128xi32, #tpu.memory_space<hbm>>
      %dma_wait3A_106 = tpu.memref_squeeze %dma_wait3A_105 : memref<1x1x128xi32, #tpu.memory_space<hbm>> -> memref<128xi32, #tpu.memory_space<hbm>>
      %dma_wait3A_107 = arith.constant 0 : i32
      %dma_wait3A_108 = tpu.memref_slice %arg8[%run_scoped3A_17, %dma_wait3A_107] : memref<4x128xi32, #tpu.memory_space<vmem>> -> memref<1x128xi32, #tpu.memory_space<vmem>>
      %dma_wait3A_109 = tpu.memref_squeeze %dma_wait3A_108 : memref<1x128xi32, #tpu.memory_space<vmem>> -> memref<128xi32, #tpu.memory_space<vmem>>
      %dma_wait3A_110 = arith.constant 0 : i32
      %dma_wait3A_111 = tpu.memref_slice %arg2[%add3A, %run_scoped3A, %dma_wait3A_110] : memref<32x80x128xi32, #tpu.memory_space<hbm>> -> memref<1x1x128xi32, #tpu.memory_space<hbm>>
      %dma_wait3A_112 = tpu.memref_squeeze %dma_wait3A_111 : memref<1x1x128xi32, #tpu.memory_space<hbm>> -> memref<128xi32, #tpu.memory_space<hbm>>
      tpu.wait_dma2 semaphore(%run_scoped3A_88 : memref<!tpu.dma_semaphore, #tpu.memory_space<semaphore_mem>>) src(%dma_wait3A_112 : memref<128xi32, #tpu.memory_space<hbm>>) dst(%dma_wait3A_109 : memref<128xi32, #tpu.memory_space<vmem>>)
      tpu.yield
    }) : () -> ()
    %barrier3A = arith.constant 0 : index
    tpu.barrier barrier_id(%barrier3A)
    %dma_start3A = arith.constant 0 : i32
    %dma_start3A_18 = arith.constant 0 : i32
    %dma_start3A_19 = arith.constant 0 : i32
    %dma_start3A_20 = arith.constant 0 : i32
    %dma_start3A_21 = tpu.memref_slice %arg11[%dma_start3A_18, %dma_start3A_19, %dma_start3A_20] : memref<2x128x128xf32, #tpu.memory_space<vmem>> -> memref<1x128x128xf32, #tpu.memory_space<vmem>>
    %dma_start3A_22 = tpu.memref_squeeze %dma_start3A_21 : memref<1x128x128xf32, #tpu.memory_space<vmem>> -> memref<128x128xf32, #tpu.memory_space<vmem>>
    %dma_start3A_23 = arith.constant 0 : i32
    %dma_start3A_24 = tpu.memref_slice %arg8[%dma_start3A, %dma_start3A_23] : memref<4x128xi32, #tpu.memory_space<vmem>> -> memref<1x128xi32, #tpu.memory_space<vmem>>
    %dma_start3A_25 = tpu.memref_squeeze %dma_start3A_24 : memref<1x128xi32, #tpu.memory_space<vmem>> -> memref<128xi32, #tpu.memory_space<vmem>>
    %dma_start3A_26 = arith.constant 0 : i32
    %dma_start3A_27 = arith.constant 0 : i32
    %dma_start3A_28 = tpu.memref_slice %arg4[%dma_start3A_26, %dma_start3A_27] : memref<10240x128xf32, #tpu.memory_space<hbm>> -> memref<10240x128xf32, #tpu.memory_space<hbm>>
    tpu.enqueue_indirect_dma source(%dma_start3A_28 : memref<10240x128xf32, #tpu.memory_space<hbm>>) target(%dma_start3A_22 : memref<128x128xf32, #tpu.memory_space<vmem>>) offsets(%dma_start3A_25 : memref<128xi32, #tpu.memory_space<vmem>>) semaphore(%arg15 : memref<!tpu.dma_semaphore, #tpu.memory_space<semaphore_mem>>)
    %dma_start3A_29 = arith.constant 0 : i32
    %dma_start3A_30 = arith.constant 0 : i32
    %dma_start3A_31 = arith.constant 0 : i32
    %dma_start3A_32 = tpu.memref_slice %arg10[%dma_start3A_30, %dma_start3A_31] : memref<2x128xf32, #tpu.memory_space<vmem>> -> memref<1x128xf32, #tpu.memory_space<vmem>>
    %dma_start3A_33 = tpu.memref_squeeze %dma_start3A_32 : memref<1x128xf32, #tpu.memory_space<vmem>> -> memref<128xf32, #tpu.memory_space<vmem>>
    %dma_start3A_34 = arith.constant 0 : i32
    %dma_start3A_35 = tpu.memref_slice %arg9[%dma_start3A_29, %dma_start3A_34] : memref<80x128xi32, #tpu.memory_space<vmem>> -> memref<1x128xi32, #tpu.memory_space<vmem>>
    %dma_start3A_36 = tpu.memref_squeeze %dma_start3A_35 : memref<1x128xi32, #tpu.memory_space<vmem>> -> memref<128xi32, #tpu.memory_space<vmem>>
    %dma_start3A_37 = arith.constant 0 : i32
    %dma_start3A_38 = tpu.memref_slice %arg5[%dma_start3A_37] : memref<10240xf32, #tpu.memory_space<hbm>> -> memref<10240xf32, #tpu.memory_space<hbm>>
    tpu.enqueue_indirect_dma source(%dma_start3A_38 : memref<10240xf32, #tpu.memory_space<hbm>>) target(%dma_start3A_33 : memref<128xf32, #tpu.memory_space<vmem>>) offsets(%dma_start3A_36 : memref<128xi32, #tpu.memory_space<vmem>>) semaphore(%arg15 : memref<!tpu.dma_semaphore, #tpu.memory_space<semaphore_mem>>)
    %dma_start3A_39 = arith.constant 1 : i32
    %dma_start3A_40 = arith.constant 1 : i32
    %dma_start3A_41 = arith.constant 0 : i32
    %dma_start3A_42 = tpu.memref_slice %arg8[%dma_start3A_40, %dma_start3A_41] : memref<4x128xi32, #tpu.memory_space<vmem>> -> memref<1x128xi32, #tpu.memory_space<vmem>>
    %dma_start3A_43 = tpu.memref_squeeze %dma_start3A_42 : memref<1x128xi32, #tpu.memory_space<vmem>> -> memref<128xi32, #tpu.memory_space<vmem>>
    %dma_start3A_44 = arith.constant 0 : i32
    %dma_start3A_45 = tpu.memref_slice %arg2[%add3A, %dma_start3A_39, %dma_start3A_44] : memref<32x80x128xi32, #tpu.memory_space<hbm>> -> memref<1x1x128xi32, #tpu.memory_space<hbm>>
    %dma_start3A_46 = tpu.memref_squeeze %dma_start3A_45 : memref<1x1x128xi32, #tpu.memory_space<hbm>> -> memref<128xi32, #tpu.memory_space<hbm>>
    %dma_start3A_47 = arith.constant 0 : i32
    %dma_start3A_48 = tpu.memref_slice %arg8[%dma_start3A_40, %dma_start3A_47] : memref<4x128xi32, #tpu.memory_space<vmem>> -> memref<1x128xi32, #tpu.memory_space<vmem>>
    %dma_start3A_49 = tpu.memref_squeeze %dma_start3A_48 : memref<1x128xi32, #tpu.memory_space<vmem>> -> memref<128xi32, #tpu.memory_space<vmem>>
    %dma_start3A_50 = arith.constant 0 : i32
    %dma_start3A_51 = tpu.memref_slice %arg2[%add3A, %dma_start3A_39, %dma_start3A_50] : memref<32x80x128xi32, #tpu.memory_space<hbm>> -> memref<1x1x128xi32, #tpu.memory_space<hbm>>
    %dma_start3A_52 = tpu.memref_squeeze %dma_start3A_51 : memref<1x1x128xi32, #tpu.memory_space<hbm>> -> memref<128xi32, #tpu.memory_space<hbm>>
    tpu.enqueue_dma source(%dma_start3A_52 : memref<128xi32, #tpu.memory_space<hbm>>) target(%dma_start3A_49 : memref<128xi32, #tpu.memory_space<vmem>>) target_semaphore(%arg16 : memref<!tpu.dma_semaphore, #tpu.memory_space<semaphore_mem>>)
    %scan3A_53 = arith.constant 0 : i32
    %scan3A_54 = arith.constant 20 : i32
    %scan3A_55 = arith.addi %scan3A_53, %scan3A_54 : i32
    %scan3A_56 = arith.constant 1 : i32
    scf.for %scan3A_88 = %scan3A_53 to %scan3A_55 step %scan3A_56  : i32 {
      %mul3A_89 = arith.constant 4 : i32
      %mul3A_90 = arith.muli %scan3A_88, %mul3A_89 : i32
      %add3A_91 = arith.constant 0 : i32
      %add3A_92 = arith.addi %add3A_91, %mul3A_90 : i32
      %add3A_93 = arith.constant 0 : i32
      %add3A_94 = arith.addi %add3A_92, %add3A_93 : i32
      %dma_wait3A_95 = arith.constant 0 : i32
      %dma_wait3A_96 = arith.constant 0 : i32
      %dma_wait3A_97 = arith.constant 0 : i32
      %dma_wait3A_98 = arith.constant 0 : i32
      %dma_wait3A_99 = tpu.memref_slice %arg11[%dma_wait3A_96, %dma_wait3A_97, %dma_wait3A_98] : memref<2x128x128xf32, #tpu.memory_space<vmem>> -> memref<1x128x128xf32, #tpu.memory_space<vmem>>
      %dma_wait3A_100 = tpu.memref_squeeze %dma_wait3A_99 : memref<1x128x128xf32, #tpu.memory_space<vmem>> -> memref<128x128xf32, #tpu.memory_space<vmem>>
      %dma_wait3A_101 = arith.constant 0 : i32
      %dma_wait3A_102 = tpu.memref_slice %arg8[%dma_wait3A_95, %dma_wait3A_101] : memref<4x128xi32, #tpu.memory_space<vmem>> -> memref<1x128xi32, #tpu.memory_space<vmem>>
      %dma_wait3A_103 = tpu.memref_squeeze %dma_wait3A_102 : memref<1x128xi32, #tpu.memory_space<vmem>> -> memref<128xi32, #tpu.memory_space<vmem>>
      %dma_wait3A_104 = arith.constant 0 : i32
      %dma_wait3A_105 = arith.constant 0 : i32
      %dma_wait3A_106 = tpu.memref_slice %arg4[%dma_wait3A_104, %dma_wait3A_105] : memref<10240x128xf32, #tpu.memory_space<hbm>> -> memref<10240x128xf32, #tpu.memory_space<hbm>>
      tpu.wait_indirect_dma semaphore(%arg15 : memref<!tpu.dma_semaphore, #tpu.memory_space<semaphore_mem>>) src(%dma_wait3A_106 : memref<10240x128xf32, #tpu.memory_space<hbm>>) dst(%dma_wait3A_100 : memref<128x128xf32, #tpu.memory_space<vmem>>)
      %dma_wait3A_107 = arith.constant 0 : i32
      %dma_wait3A_108 = arith.constant 0 : i32
      %dma_wait3A_109 = arith.constant 0 : i32
      %dma_wait3A_110 = tpu.memref_slice %arg10[%dma_wait3A_108, %dma_wait3A_109] : memref<2x128xf32, #tpu.memory_space<vmem>> -> memref<1x128xf32, #tpu.memory_space<vmem>>
      %dma_wait3A_111 = tpu.memref_squeeze %dma_wait3A_110 : memref<1x128xf32, #tpu.memory_space<vmem>> -> memref<128xf32, #tpu.memory_space<vmem>>
      %dma_wait3A_112 = arith.constant 0 : i32
      %dma_wait3A_113 = tpu.memref_slice %arg9[%dma_wait3A_107, %dma_wait3A_112] : memref<80x128xi32, #tpu.memory_space<vmem>> -> memref<1x128xi32, #tpu.memory_space<vmem>>
      %dma_wait3A_114 = tpu.memref_squeeze %dma_wait3A_113 : memref<1x128xi32, #tpu.memory_space<vmem>> -> memref<128xi32, #tpu.memory_space<vmem>>
      %dma_wait3A_115 = arith.constant 0 : i32
      %dma_wait3A_116 = tpu.memref_slice %arg5[%dma_wait3A_115] : memref<10240xf32, #tpu.memory_space<hbm>> -> memref<10240xf32, #tpu.memory_space<hbm>>
      tpu.wait_indirect_dma semaphore(%arg15 : memref<!tpu.dma_semaphore, #tpu.memory_space<semaphore_mem>>) src(%dma_wait3A_116 : memref<10240xf32, #tpu.memory_space<hbm>>) dst(%dma_wait3A_111 : memref<128xf32, #tpu.memory_space<vmem>>)
      %gt3A = arith.constant 0 : i32
      %gt3A_117 = arith.cmpi sgt, %add3A_92, %gt3A : i32
      %convert_element_type3A = arith.extui %gt3A_117 : i1 to i32
      %cond3A = arith.constant 0 : i32
      %cond3A_118 = arith.cmpi ne, %convert_element_type3A, %cond3A : i32
      scf.if %cond3A_118 {
        %dma_wait3A_396 = arith.constant 1 : i32
        %dma_wait3A_397 = arith.constant 0 : i32
        %dma_wait3A_398 = arith.constant 0 : i32
        %dma_wait3A_399 = arith.constant 0 : i32
        %dma_wait3A_400 = tpu.memref_slice %arg11[%dma_wait3A_396, %dma_wait3A_398, %dma_wait3A_399] : memref<2x128x128xf32, #tpu.memory_space<vmem>> -> memref<1x128x128xf32, #tpu.memory_space<vmem>>
        %dma_wait3A_401 = tpu.memref_squeeze %dma_wait3A_400 : memref<1x128x128xf32, #tpu.memory_space<vmem>> -> memref<128x128xf32, #tpu.memory_space<vmem>>
        %dma_wait3A_402 = arith.constant 0 : i32
        %dma_wait3A_403 = tpu.memref_slice %arg9[%dma_wait3A_397, %dma_wait3A_402] : memref<80x128xi32, #tpu.memory_space<vmem>> -> memref<1x128xi32, #tpu.memory_space<vmem>>
        %dma_wait3A_404 = tpu.memref_squeeze %dma_wait3A_403 : memref<1x128xi32, #tpu.memory_space<vmem>> -> memref<128xi32, #tpu.memory_space<vmem>>
        %dma_wait3A_405 = arith.constant 0 : i32
        %dma_wait3A_406 = arith.constant 0 : i32
        %dma_wait3A_407 = tpu.memref_slice %arg13[%dma_wait3A_405, %dma_wait3A_406] : memref<10240x128xf32, #tpu.memory_space<vmem_shared>> -> memref<10240x128xf32, #tpu.memory_space<vmem_shared>>
        tpu.wait_indirect_dma semaphore(%arg17 : memref<!tpu.dma_semaphore, #tpu.memory_space<semaphore_mem>>) src(%dma_wait3A_401 : memref<128x128xf32, #tpu.memory_space<vmem>>) dst(%dma_wait3A_407 : memref<10240x128xf32, #tpu.memory_space<vmem_shared>>)
        %dma_wait3A_408 = arith.constant 1 : i32
        %dma_wait3A_409 = arith.constant 0 : i32
        %dma_wait3A_410 = arith.constant 0 : i32
        %dma_wait3A_411 = tpu.memref_slice %arg10[%dma_wait3A_408, %dma_wait3A_410] : memref<2x128xf32, #tpu.memory_space<vmem>> -> memref<1x128xf32, #tpu.memory_space<vmem>>
        %dma_wait3A_412 = tpu.memref_squeeze %dma_wait3A_411 : memref<1x128xf32, #tpu.memory_space<vmem>> -> memref<128xf32, #tpu.memory_space<vmem>>
        %dma_wait3A_413 = arith.constant 0 : i32
        %dma_wait3A_414 = tpu.memref_slice %arg8[%dma_wait3A_409, %dma_wait3A_413] : memref<4x128xi32, #tpu.memory_space<vmem>> -> memref<1x128xi32, #tpu.memory_space<vmem>>
        %dma_wait3A_415 = tpu.memref_squeeze %dma_wait3A_414 : memref<1x128xi32, #tpu.memory_space<vmem>> -> memref<128xi32, #tpu.memory_space<vmem>>
        %dma_wait3A_416 = arith.constant 0 : i32
        %dma_wait3A_417 = tpu.memref_slice %arg14[%dma_wait3A_416] : memref<10240xf32, #tpu.memory_space<vmem_shared>> -> memref<10240xf32, #tpu.memory_space<vmem_shared>>
        tpu.wait_indirect_dma semaphore(%arg17 : memref<!tpu.dma_semaphore, #tpu.memory_space<semaphore_mem>>) src(%dma_wait3A_412 : memref<128xf32, #tpu.memory_space<vmem>>) dst(%dma_wait3A_417 : memref<10240xf32, #tpu.memory_space<vmem_shared>>)
      } else {
      }
      %add3A_119 = arith.constant 1 : i32
      %add3A_120 = arith.addi %add3A_94, %add3A_119 : i32
      %lt3A = arith.constant 80 : i32
      %lt3A_121 = arith.cmpi slt, %add3A_120, %lt3A : i32
      %convert_element_type3A_122 = arith.extui %lt3A_121 : i1 to i32
      %cond3A_123 = arith.constant 0 : i32
      %cond3A_124 = arith.cmpi ne, %convert_element_type3A_122, %cond3A_123 : i32
      scf.if %cond3A_124 {
        %dma_wait3A_396 = arith.constant 0 : i32
        %dma_wait3A_397 = arith.constant 1 : i32
        %dma_wait3A_398 = arith.constant 0 : i32
        %dma_wait3A_399 = tpu.memref_slice %arg8[%dma_wait3A_397, %dma_wait3A_398] : memref<4x128xi32, #tpu.memory_space<vmem>> -> memref<1x128xi32, #tpu.memory_space<vmem>>
        %dma_wait3A_400 = tpu.memref_squeeze %dma_wait3A_399 : memref<1x128xi32, #tpu.memory_space<vmem>> -> memref<128xi32, #tpu.memory_space<vmem>>
        %dma_wait3A_401 = arith.constant 0 : i32
        %dma_wait3A_402 = tpu.memref_slice %arg2[%add3A, %dma_wait3A_396, %dma_wait3A_401] : memref<32x80x128xi32, #tpu.memory_space<hbm>> -> memref<1x1x128xi32, #tpu.memory_space<hbm>>
        %dma_wait3A_403 = tpu.memref_squeeze %dma_wait3A_402 : memref<1x1x128xi32, #tpu.memory_space<hbm>> -> memref<128xi32, #tpu.memory_space<hbm>>
        %dma_wait3A_404 = arith.constant 0 : i32
        %dma_wait3A_405 = tpu.memref_slice %arg8[%dma_wait3A_397, %dma_wait3A_404] : memref<4x128xi32, #tpu.memory_space<vmem>> -> memref<1x128xi32, #tpu.memory_space<vmem>>
        %dma_wait3A_406 = tpu.memref_squeeze %dma_wait3A_405 : memref<1x128xi32, #tpu.memory_space<vmem>> -> memref<128xi32, #tpu.memory_space<vmem>>
        %dma_wait3A_407 = arith.constant 0 : i32
        %dma_wait3A_408 = tpu.memref_slice %arg2[%add3A, %dma_wait3A_396, %dma_wait3A_407] : memref<32x80x128xi32, #tpu.memory_space<hbm>> -> memref<1x1x128xi32, #tpu.memory_space<hbm>>
        %dma_wait3A_409 = tpu.memref_squeeze %dma_wait3A_408 : memref<1x1x128xi32, #tpu.memory_space<hbm>> -> memref<128xi32, #tpu.memory_space<hbm>>
        tpu.wait_dma2 semaphore(%arg16 : memref<!tpu.dma_semaphore, #tpu.memory_space<semaphore_mem>>) src(%dma_wait3A_409 : memref<128xi32, #tpu.memory_space<hbm>>) dst(%dma_wait3A_406 : memref<128xi32, #tpu.memory_space<vmem>>)
        %add3A_410 = arith.constant 1 : i32
        %add3A_411 = arith.addi %add3A_94, %add3A_410 : i32
        %dma_start3A_412 = arith.constant 1 : i32
        %dma_start3A_413 = arith.constant 1 : i32
        %dma_start3A_414 = arith.constant 0 : i32
        %dma_start3A_415 = arith.constant 0 : i32
        %dma_start3A_416 = tpu.memref_slice %arg11[%dma_start3A_413, %dma_start3A_414, %dma_start3A_415] : memref<2x128x128xf32, #tpu.memory_space<vmem>> -> memref<1x128x128xf32, #tpu.memory_space<vmem>>
        %dma_start3A_417 = tpu.memref_squeeze %dma_start3A_416 : memref<1x128x128xf32, #tpu.memory_space<vmem>> -> memref<128x128xf32, #tpu.memory_space<vmem>>
        %dma_start3A_418 = arith.constant 0 : i32
        %dma_start3A_419 = tpu.memref_slice %arg8[%dma_start3A_412, %dma_start3A_418] : memref<4x128xi32, #tpu.memory_space<vmem>> -> memref<1x128xi32, #tpu.memory_space<vmem>>
        %dma_start3A_420 = tpu.memref_squeeze %dma_start3A_419 : memref<1x128xi32, #tpu.memory_space<vmem>> -> memref<128xi32, #tpu.memory_space<vmem>>
        %dma_start3A_421 = arith.constant 0 : i32
        %dma_start3A_422 = arith.constant 0 : i32
        %dma_start3A_423 = tpu.memref_slice %arg4[%dma_start3A_421, %dma_start3A_422] : memref<10240x128xf32, #tpu.memory_space<hbm>> -> memref<10240x128xf32, #tpu.memory_space<hbm>>
        tpu.enqueue_indirect_dma source(%dma_start3A_423 : memref<10240x128xf32, #tpu.memory_space<hbm>>) target(%dma_start3A_417 : memref<128x128xf32, #tpu.memory_space<vmem>>) offsets(%dma_start3A_420 : memref<128xi32, #tpu.memory_space<vmem>>) semaphore(%arg15 : memref<!tpu.dma_semaphore, #tpu.memory_space<semaphore_mem>>)
        %dma_start3A_424 = arith.constant 1 : i32
        %dma_start3A_425 = arith.constant 0 : i32
        %dma_start3A_426 = tpu.memref_slice %arg10[%dma_start3A_424, %dma_start3A_425] : memref<2x128xf32, #tpu.memory_space<vmem>> -> memref<1x128xf32, #tpu.memory_space<vmem>>
        %dma_start3A_427 = tpu.memref_squeeze %dma_start3A_426 : memref<1x128xf32, #tpu.memory_space<vmem>> -> memref<128xf32, #tpu.memory_space<vmem>>
        %dma_start3A_428 = arith.constant 0 : i32
        %dma_start3A_429 = tpu.memref_slice %arg9[%add3A_411, %dma_start3A_428] : memref<80x128xi32, #tpu.memory_space<vmem>> -> memref<1x128xi32, #tpu.memory_space<vmem>>
        %dma_start3A_430 = tpu.memref_squeeze %dma_start3A_429 : memref<1x128xi32, #tpu.memory_space<vmem>> -> memref<128xi32, #tpu.memory_space<vmem>>
        %dma_start3A_431 = arith.constant 0 : i32
        %dma_start3A_432 = tpu.memref_slice %arg5[%dma_start3A_431] : memref<10240xf32, #tpu.memory_space<hbm>> -> memref<10240xf32, #tpu.memory_space<hbm>>
        tpu.enqueue_indirect_dma source(%dma_start3A_432 : memref<10240xf32, #tpu.memory_space<hbm>>) target(%dma_start3A_427 : memref<128xf32, #tpu.memory_space<vmem>>) offsets(%dma_start3A_430 : memref<128xi32, #tpu.memory_space<vmem>>) semaphore(%arg15 : memref<!tpu.dma_semaphore, #tpu.memory_space<semaphore_mem>>)
      } else {
      }
      %dma_start3A_125 = arith.constant 0 : i32
      %dma_start3A_126 = arith.constant 0 : i32
      %dma_start3A_127 = arith.constant 0 : i32
      %dma_start3A_128 = tpu.memref_slice %arg11[%dma_start3A_125, %dma_start3A_126, %dma_start3A_127] : memref<2x128x128xf32, #tpu.memory_space<vmem>> -> memref<1x128x128xf32, #tpu.memory_space<vmem>>
      %dma_start3A_129 = tpu.memref_squeeze %dma_start3A_128 : memref<1x128x128xf32, #tpu.memory_space<vmem>> -> memref<128x128xf32, #tpu.memory_space<vmem>>
      %dma_start3A_130 = arith.constant 0 : i32
      %dma_start3A_131 = tpu.memref_slice %arg9[%add3A_94, %dma_start3A_130] : memref<80x128xi32, #tpu.memory_space<vmem>> -> memref<1x128xi32, #tpu.memory_space<vmem>>
      %dma_start3A_132 = tpu.memref_squeeze %dma_start3A_131 : memref<1x128xi32, #tpu.memory_space<vmem>> -> memref<128xi32, #tpu.memory_space<vmem>>
      %dma_start3A_133 = arith.constant 0 : i32
      %dma_start3A_134 = arith.constant 0 : i32
      %dma_start3A_135 = tpu.memref_slice %arg13[%dma_start3A_133, %dma_start3A_134] : memref<10240x128xf32, #tpu.memory_space<vmem_shared>> -> memref<10240x128xf32, #tpu.memory_space<vmem_shared>>
      tpu.enqueue_indirect_dma source(%dma_start3A_129 : memref<128x128xf32, #tpu.memory_space<vmem>>) target(%dma_start3A_135 : memref<10240x128xf32, #tpu.memory_space<vmem_shared>>) offsets(%dma_start3A_132 : memref<128xi32, #tpu.memory_space<vmem>>) semaphore(%arg17 : memref<!tpu.dma_semaphore, #tpu.memory_space<semaphore_mem>>) {add = true}
      %dma_start3A_136 = arith.constant 0 : i32
      %dma_start3A_137 = arith.constant 0 : i32
      %dma_start3A_138 = arith.constant 0 : i32
      %dma_start3A_139 = tpu.memref_slice %arg10[%dma_start3A_136, %dma_start3A_138] : memref<2x128xf32, #tpu.memory_space<vmem>> -> memref<1x128xf32, #tpu.memory_space<vmem>>
      %dma_start3A_140 = tpu.memref_squeeze %dma_start3A_139 : memref<1x128xf32, #tpu.memory_space<vmem>> -> memref<128xf32, #tpu.memory_space<vmem>>
      %dma_start3A_141 = arith.constant 0 : i32
      %dma_start3A_142 = tpu.memref_slice %arg8[%dma_start3A_137, %dma_start3A_141] : memref<4x128xi32, #tpu.memory_space<vmem>> -> memref<1x128xi32, #tpu.memory_space<vmem>>
      %dma_start3A_143 = tpu.memref_squeeze %dma_start3A_142 : memref<1x128xi32, #tpu.memory_space<vmem>> -> memref<128xi32, #tpu.memory_space<vmem>>
      %dma_start3A_144 = arith.constant 0 : i32
      %dma_start3A_145 = tpu.memref_slice %arg14[%dma_start3A_144] : memref<10240xf32, #tpu.memory_space<vmem_shared>> -> memref<10240xf32, #tpu.memory_space<vmem_shared>>
      tpu.enqueue_indirect_dma source(%dma_start3A_140 : memref<128xf32, #tpu.memory_space<vmem>>) target(%dma_start3A_145 : memref<10240xf32, #tpu.memory_space<vmem_shared>>) offsets(%dma_start3A_143 : memref<128xi32, #tpu.memory_space<vmem>>) semaphore(%arg17 : memref<!tpu.dma_semaphore, #tpu.memory_space<semaphore_mem>>) {add = true}
      %add3A_146 = arith.constant 2 : i32
      %add3A_147 = arith.addi %add3A_94, %add3A_146 : i32
      %lt3A_148 = arith.constant 80 : i32
      %lt3A_149 = arith.cmpi slt, %add3A_147, %lt3A_148 : i32
      %convert_element_type3A_150 = arith.extui %lt3A_149 : i1 to i32
      %cond3A_151 = arith.constant 0 : i32
      %cond3A_152 = arith.cmpi ne, %convert_element_type3A_150, %cond3A_151 : i32
      scf.if %cond3A_152 {
        %add3A_396 = arith.constant 2 : i32
        %add3A_397 = arith.addi %add3A_94, %add3A_396 : i32
        %dma_start3A_398 = arith.constant 2 : i32
        %dma_start3A_399 = arith.constant 0 : i32
        %dma_start3A_400 = tpu.memref_slice %arg8[%dma_start3A_398, %dma_start3A_399] : memref<4x128xi32, #tpu.memory_space<vmem>> -> memref<1x128xi32, #tpu.memory_space<vmem>>
        %dma_start3A_401 = tpu.memref_squeeze %dma_start3A_400 : memref<1x128xi32, #tpu.memory_space<vmem>> -> memref<128xi32, #tpu.memory_space<vmem>>
        %dma_start3A_402 = arith.constant 0 : i32
        %dma_start3A_403 = tpu.memref_slice %arg2[%add3A, %add3A_397, %dma_start3A_402] : memref<32x80x128xi32, #tpu.memory_space<hbm>> -> memref<1x1x128xi32, #tpu.memory_space<hbm>>
        %dma_start3A_404 = tpu.memref_squeeze %dma_start3A_403 : memref<1x1x128xi32, #tpu.memory_space<hbm>> -> memref<128xi32, #tpu.memory_space<hbm>>
        %dma_start3A_405 = arith.constant 0 : i32
        %dma_start3A_406 = tpu.memref_slice %arg8[%dma_start3A_398, %dma_start3A_405] : memref<4x128xi32, #tpu.memory_space<vmem>> -> memref<1x128xi32, #tpu.memory_space<vmem>>
        %dma_start3A_407 = tpu.memref_squeeze %dma_start3A_406 : memref<1x128xi32, #tpu.memory_space<vmem>> -> memref<128xi32, #tpu.memory_space<vmem>>
        %dma_start3A_408 = arith.constant 0 : i32
        %dma_start3A_409 = tpu.memref_slice %arg2[%add3A, %add3A_397, %dma_start3A_408] : memref<32x80x128xi32, #tpu.memory_space<hbm>> -> memref<1x1x128xi32, #tpu.memory_space<hbm>>
        %dma_start3A_410 = tpu.memref_squeeze %dma_start3A_409 : memref<1x1x128xi32, #tpu.memory_space<hbm>> -> memref<128xi32, #tpu.memory_space<hbm>>
        tpu.enqueue_dma source(%dma_start3A_410 : memref<128xi32, #tpu.memory_space<hbm>>) target(%dma_start3A_407 : memref<128xi32, #tpu.memory_space<vmem>>) target_semaphore(%arg16 : memref<!tpu.dma_semaphore, #tpu.memory_space<semaphore_mem>>)
      } else {
      }
      %add3A_153 = arith.constant 1 : i32
      %add3A_154 = arith.addi %add3A_92, %add3A_153 : i32
      %dma_wait3A_155 = arith.constant 0 : i32
      %dma_wait3A_156 = arith.constant 1 : i32
      %dma_wait3A_157 = arith.constant 0 : i32
      %dma_wait3A_158 = arith.constant 0 : i32
      %dma_wait3A_159 = tpu.memref_slice %arg11[%dma_wait3A_156, %dma_wait3A_157, %dma_wait3A_158] : memref<2x128x128xf32, #tpu.memory_space<vmem>> -> memref<1x128x128xf32, #tpu.memory_space<vmem>>
      %dma_wait3A_160 = tpu.memref_squeeze %dma_wait3A_159 : memref<1x128x128xf32, #tpu.memory_space<vmem>> -> memref<128x128xf32, #tpu.memory_space<vmem>>
      %dma_wait3A_161 = arith.constant 0 : i32
      %dma_wait3A_162 = tpu.memref_slice %arg8[%dma_wait3A_155, %dma_wait3A_161] : memref<4x128xi32, #tpu.memory_space<vmem>> -> memref<1x128xi32, #tpu.memory_space<vmem>>
      %dma_wait3A_163 = tpu.memref_squeeze %dma_wait3A_162 : memref<1x128xi32, #tpu.memory_space<vmem>> -> memref<128xi32, #tpu.memory_space<vmem>>
      %dma_wait3A_164 = arith.constant 0 : i32
      %dma_wait3A_165 = arith.constant 0 : i32
      %dma_wait3A_166 = tpu.memref_slice %arg4[%dma_wait3A_164, %dma_wait3A_165] : memref<10240x128xf32, #tpu.memory_space<hbm>> -> memref<10240x128xf32, #tpu.memory_space<hbm>>
      tpu.wait_indirect_dma semaphore(%arg15 : memref<!tpu.dma_semaphore, #tpu.memory_space<semaphore_mem>>) src(%dma_wait3A_166 : memref<10240x128xf32, #tpu.memory_space<hbm>>) dst(%dma_wait3A_160 : memref<128x128xf32, #tpu.memory_space<vmem>>)
      %dma_wait3A_167 = arith.constant 0 : i32
      %dma_wait3A_168 = arith.constant 1 : i32
      %dma_wait3A_169 = arith.constant 0 : i32
      %dma_wait3A_170 = tpu.memref_slice %arg10[%dma_wait3A_168, %dma_wait3A_169] : memref<2x128xf32, #tpu.memory_space<vmem>> -> memref<1x128xf32, #tpu.memory_space<vmem>>
      %dma_wait3A_171 = tpu.memref_squeeze %dma_wait3A_170 : memref<1x128xf32, #tpu.memory_space<vmem>> -> memref<128xf32, #tpu.memory_space<vmem>>
      %dma_wait3A_172 = arith.constant 0 : i32
      %dma_wait3A_173 = tpu.memref_slice %arg9[%dma_wait3A_167, %dma_wait3A_172] : memref<80x128xi32, #tpu.memory_space<vmem>> -> memref<1x128xi32, #tpu.memory_space<vmem>>
      %dma_wait3A_174 = tpu.memref_squeeze %dma_wait3A_173 : memref<1x128xi32, #tpu.memory_space<vmem>> -> memref<128xi32, #tpu.memory_space<vmem>>
      %dma_wait3A_175 = arith.constant 0 : i32
      %dma_wait3A_176 = tpu.memref_slice %arg5[%dma_wait3A_175] : memref<10240xf32, #tpu.memory_space<hbm>> -> memref<10240xf32, #tpu.memory_space<hbm>>
      tpu.wait_indirect_dma semaphore(%arg15 : memref<!tpu.dma_semaphore, #tpu.memory_space<semaphore_mem>>) src(%dma_wait3A_176 : memref<10240xf32, #tpu.memory_space<hbm>>) dst(%dma_wait3A_171 : memref<128xf32, #tpu.memory_space<vmem>>)
      %dma_wait3A_177 = arith.constant 0 : i32
      %dma_wait3A_178 = arith.constant 0 : i32
      %dma_wait3A_179 = arith.constant 0 : i32
      %dma_wait3A_180 = arith.constant 0 : i32
      %dma_wait3A_181 = tpu.memref_slice %arg11[%dma_wait3A_177, %dma_wait3A_179, %dma_wait3A_180] : memref<2x128x128xf32, #tpu.memory_space<vmem>> -> memref<1x128x128xf32, #tpu.memory_space<vmem>>
      %dma_wait3A_182 = tpu.memref_squeeze %dma_wait3A_181 : memref<1x128x128xf32, #tpu.memory_space<vmem>> -> memref<128x128xf32, #tpu.memory_space<vmem>>
      %dma_wait3A_183 = arith.constant 0 : i32
      %dma_wait3A_184 = tpu.memref_slice %arg9[%dma_wait3A_178, %dma_wait3A_183] : memref<80x128xi32, #tpu.memory_space<vmem>> -> memref<1x128xi32, #tpu.memory_space<vmem>>
      %dma_wait3A_185 = tpu.memref_squeeze %dma_wait3A_184 : memref<1x128xi32, #tpu.memory_space<vmem>> -> memref<128xi32, #tpu.memory_space<vmem>>
      %dma_wait3A_186 = arith.constant 0 : i32
      %dma_wait3A_187 = arith.constant 0 : i32
      %dma_wait3A_188 = tpu.memref_slice %arg13[%dma_wait3A_186, %dma_wait3A_187] : memref<10240x128xf32, #tpu.memory_space<vmem_shared>> -> memref<10240x128xf32, #tpu.memory_space<vmem_shared>>
      tpu.wait_indirect_dma semaphore(%arg17 : memref<!tpu.dma_semaphore, #tpu.memory_space<semaphore_mem>>) src(%dma_wait3A_182 : memref<128x128xf32, #tpu.memory_space<vmem>>) dst(%dma_wait3A_188 : memref<10240x128xf32, #tpu.memory_space<vmem_shared>>)
      %dma_wait3A_189 = arith.constant 0 : i32
      %dma_wait3A_190 = arith.constant 0 : i32
      %dma_wait3A_191 = arith.constant 0 : i32
      %dma_wait3A_192 = tpu.memref_slice %arg10[%dma_wait3A_189, %dma_wait3A_191] : memref<2x128xf32, #tpu.memory_space<vmem>> -> memref<1x128xf32, #tpu.memory_space<vmem>>
      %dma_wait3A_193 = tpu.memref_squeeze %dma_wait3A_192 : memref<1x128xf32, #tpu.memory_space<vmem>> -> memref<128xf32, #tpu.memory_space<vmem>>
      %dma_wait3A_194 = arith.constant 0 : i32
      %dma_wait3A_195 = tpu.memref_slice %arg8[%dma_wait3A_190, %dma_wait3A_194] : memref<4x128xi32, #tpu.memory_space<vmem>> -> memref<1x128xi32, #tpu.memory_space<vmem>>
      %dma_wait3A_196 = tpu.memref_squeeze %dma_wait3A_195 : memref<1x128xi32, #tpu.memory_space<vmem>> -> memref<128xi32, #tpu.memory_space<vmem>>
      %dma_wait3A_197 = arith.constant 0 : i32
      %dma_wait3A_198 = tpu.memref_slice %arg14[%dma_wait3A_197] : memref<10240xf32, #tpu.memory_space<vmem_shared>> -> memref<10240xf32, #tpu.memory_space<vmem_shared>>
      tpu.wait_indirect_dma semaphore(%arg17 : memref<!tpu.dma_semaphore, #tpu.memory_space<semaphore_mem>>) src(%dma_wait3A_193 : memref<128xf32, #tpu.memory_space<vmem>>) dst(%dma_wait3A_198 : memref<10240xf32, #tpu.memory_space<vmem_shared>>)
      %add3A_199 = arith.constant 1 : i32
      %add3A_200 = arith.addi %add3A_154, %add3A_199 : i32
      %lt3A_201 = arith.constant 80 : i32
      %lt3A_202 = arith.cmpi slt, %add3A_200, %lt3A_201 : i32
      %convert_element_type3A_203 = arith.extui %lt3A_202 : i1 to i32
      %cond3A_204 = arith.constant 0 : i32
      %cond3A_205 = arith.cmpi ne, %convert_element_type3A_203, %cond3A_204 : i32
      scf.if %cond3A_205 {
        %dma_wait3A_396 = arith.constant 0 : i32
        %dma_wait3A_397 = arith.constant 2 : i32
        %dma_wait3A_398 = arith.constant 0 : i32
        %dma_wait3A_399 = tpu.memref_slice %arg8[%dma_wait3A_397, %dma_wait3A_398] : memref<4x128xi32, #tpu.memory_space<vmem>> -> memref<1x128xi32, #tpu.memory_space<vmem>>
        %dma_wait3A_400 = tpu.memref_squeeze %dma_wait3A_399 : memref<1x128xi32, #tpu.memory_space<vmem>> -> memref<128xi32, #tpu.memory_space<vmem>>
        %dma_wait3A_401 = arith.constant 0 : i32
        %dma_wait3A_402 = tpu.memref_slice %arg2[%add3A, %dma_wait3A_396, %dma_wait3A_401] : memref<32x80x128xi32, #tpu.memory_space<hbm>> -> memref<1x1x128xi32, #tpu.memory_space<hbm>>
        %dma_wait3A_403 = tpu.memref_squeeze %dma_wait3A_402 : memref<1x1x128xi32, #tpu.memory_space<hbm>> -> memref<128xi32, #tpu.memory_space<hbm>>
        %dma_wait3A_404 = arith.constant 0 : i32
        %dma_wait3A_405 = tpu.memref_slice %arg8[%dma_wait3A_397, %dma_wait3A_404] : memref<4x128xi32, #tpu.memory_space<vmem>> -> memref<1x128xi32, #tpu.memory_space<vmem>>
        %dma_wait3A_406 = tpu.memref_squeeze %dma_wait3A_405 : memref<1x128xi32, #tpu.memory_space<vmem>> -> memref<128xi32, #tpu.memory_space<vmem>>
        %dma_wait3A_407 = arith.constant 0 : i32
        %dma_wait3A_408 = tpu.memref_slice %arg2[%add3A, %dma_wait3A_396, %dma_wait3A_407] : memref<32x80x128xi32, #tpu.memory_space<hbm>> -> memref<1x1x128xi32, #tpu.memory_space<hbm>>
        %dma_wait3A_409 = tpu.memref_squeeze %dma_wait3A_408 : memref<1x1x128xi32, #tpu.memory_space<hbm>> -> memref<128xi32, #tpu.memory_space<hbm>>
        tpu.wait_dma2 semaphore(%arg16 : memref<!tpu.dma_semaphore, #tpu.memory_space<semaphore_mem>>) src(%dma_wait3A_409 : memref<128xi32, #tpu.memory_space<hbm>>) dst(%dma_wait3A_406 : memref<128xi32, #tpu.memory_space<vmem>>)
        %add3A_410 = arith.constant 1 : i32
        %add3A_411 = arith.addi %add3A_154, %add3A_410 : i32
        %dma_start3A_412 = arith.constant 2 : i32
        %dma_start3A_413 = arith.constant 0 : i32
        %dma_start3A_414 = arith.constant 0 : i32
        %dma_start3A_415 = arith.constant 0 : i32
        %dma_start3A_416 = tpu.memref_slice %arg11[%dma_start3A_413, %dma_start3A_414, %dma_start3A_415] : memref<2x128x128xf32, #tpu.memory_space<vmem>> -> memref<1x128x128xf32, #tpu.memory_space<vmem>>
        %dma_start3A_417 = tpu.memref_squeeze %dma_start3A_416 : memref<1x128x128xf32, #tpu.memory_space<vmem>> -> memref<128x128xf32, #tpu.memory_space<vmem>>
        %dma_start3A_418 = arith.constant 0 : i32
        %dma_start3A_419 = tpu.memref_slice %arg8[%dma_start3A_412, %dma_start3A_418] : memref<4x128xi32, #tpu.memory_space<vmem>> -> memref<1x128xi32, #tpu.memory_space<vmem>>
        %dma_start3A_420 = tpu.memref_squeeze %dma_start3A_419 : memref<1x128xi32, #tpu.memory_space<vmem>> -> memref<128xi32, #tpu.memory_space<vmem>>
        %dma_start3A_421 = arith.constant 0 : i32
        %dma_start3A_422 = arith.constant 0 : i32
        %dma_start3A_423 = tpu.memref_slice %arg4[%dma_start3A_421, %dma_start3A_422] : memref<10240x128xf32, #tpu.memory_space<hbm>> -> memref<10240x128xf32, #tpu.memory_space<hbm>>
        tpu.enqueue_indirect_dma source(%dma_start3A_423 : memref<10240x128xf32, #tpu.memory_space<hbm>>) target(%dma_start3A_417 : memref<128x128xf32, #tpu.memory_space<vmem>>) offsets(%dma_start3A_420 : memref<128xi32, #tpu.memory_space<vmem>>) semaphore(%arg15 : memref<!tpu.dma_semaphore, #tpu.memory_space<semaphore_mem>>)
        %dma_start3A_424 = arith.constant 0 : i32
        %dma_start3A_425 = arith.constant 0 : i32
        %dma_start3A_426 = tpu.memref_slice %arg10[%dma_start3A_424, %dma_start3A_425] : memref<2x128xf32, #tpu.memory_space<vmem>> -> memref<1x128xf32, #tpu.memory_space<vmem>>
        %dma_start3A_427 = tpu.memref_squeeze %dma_start3A_426 : memref<1x128xf32, #tpu.memory_space<vmem>> -> memref<128xf32, #tpu.memory_space<vmem>>
        %dma_start3A_428 = arith.constant 0 : i32
        %dma_start3A_429 = tpu.memref_slice %arg9[%add3A_411, %dma_start3A_428] : memref<80x128xi32, #tpu.memory_space<vmem>> -> memref<1x128xi32, #tpu.memory_space<vmem>>
        %dma_start3A_430 = tpu.memref_squeeze %dma_start3A_429 : memref<1x128xi32, #tpu.memory_space<vmem>> -> memref<128xi32, #tpu.memory_space<vmem>>
        %dma_start3A_431 = arith.constant 0 : i32
        %dma_start3A_432 = tpu.memref_slice %arg5[%dma_start3A_431] : memref<10240xf32, #tpu.memory_space<hbm>> -> memref<10240xf32, #tpu.memory_space<hbm>>
        tpu.enqueue_indirect_dma source(%dma_start3A_432 : memref<10240xf32, #tpu.memory_space<hbm>>) target(%dma_start3A_427 : memref<128xf32, #tpu.memory_space<vmem>>) offsets(%dma_start3A_430 : memref<128xi32, #tpu.memory_space<vmem>>) semaphore(%arg15 : memref<!tpu.dma_semaphore, #tpu.memory_space<semaphore_mem>>)
      } else {
      }
      %dma_start3A_206 = arith.constant 1 : i32
      %dma_start3A_207 = arith.constant 0 : i32
      %dma_start3A_208 = arith.constant 0 : i32
      %dma_start3A_209 = tpu.memref_slice %arg11[%dma_start3A_206, %dma_start3A_207, %dma_start3A_208] : memref<2x128x128xf32, #tpu.memory_space<vmem>> -> memref<1x128x128xf32, #tpu.memory_space<vmem>>
      %dma_start3A_210 = tpu.memref_squeeze %dma_start3A_209 : memref<1x128x128xf32, #tpu.memory_space<vmem>> -> memref<128x128xf32, #tpu.memory_space<vmem>>
      %dma_start3A_211 = arith.constant 0 : i32
      %dma_start3A_212 = tpu.memref_slice %arg9[%add3A_154, %dma_start3A_211] : memref<80x128xi32, #tpu.memory_space<vmem>> -> memref<1x128xi32, #tpu.memory_space<vmem>>
      %dma_start3A_213 = tpu.memref_squeeze %dma_start3A_212 : memref<1x128xi32, #tpu.memory_space<vmem>> -> memref<128xi32, #tpu.memory_space<vmem>>
      %dma_start3A_214 = arith.constant 0 : i32
      %dma_start3A_215 = arith.constant 0 : i32
      %dma_start3A_216 = tpu.memref_slice %arg13[%dma_start3A_214, %dma_start3A_215] : memref<10240x128xf32, #tpu.memory_space<vmem_shared>> -> memref<10240x128xf32, #tpu.memory_space<vmem_shared>>
      tpu.enqueue_indirect_dma source(%dma_start3A_210 : memref<128x128xf32, #tpu.memory_space<vmem>>) target(%dma_start3A_216 : memref<10240x128xf32, #tpu.memory_space<vmem_shared>>) offsets(%dma_start3A_213 : memref<128xi32, #tpu.memory_space<vmem>>) semaphore(%arg17 : memref<!tpu.dma_semaphore, #tpu.memory_space<semaphore_mem>>) {add = true}
      %dma_start3A_217 = arith.constant 1 : i32
      %dma_start3A_218 = arith.constant 1 : i32
      %dma_start3A_219 = arith.constant 0 : i32
      %dma_start3A_220 = tpu.memref_slice %arg10[%dma_start3A_217, %dma_start3A_219] : memref<2x128xf32, #tpu.memory_space<vmem>> -> memref<1x128xf32, #tpu.memory_space<vmem>>
      %dma_start3A_221 = tpu.memref_squeeze %dma_start3A_220 : memref<1x128xf32, #tpu.memory_space<vmem>> -> memref<128xf32, #tpu.memory_space<vmem>>
      %dma_start3A_222 = arith.constant 0 : i32
      %dma_start3A_223 = tpu.memref_slice %arg8[%dma_start3A_218, %dma_start3A_222] : memref<4x128xi32, #tpu.memory_space<vmem>> -> memref<1x128xi32, #tpu.memory_space<vmem>>
      %dma_start3A_224 = tpu.memref_squeeze %dma_start3A_223 : memref<1x128xi32, #tpu.memory_space<vmem>> -> memref<128xi32, #tpu.memory_space<vmem>>
      %dma_start3A_225 = arith.constant 0 : i32
      %dma_start3A_226 = tpu.memref_slice %arg14[%dma_start3A_225] : memref<10240xf32, #tpu.memory_space<vmem_shared>> -> memref<10240xf32, #tpu.memory_space<vmem_shared>>
      tpu.enqueue_indirect_dma source(%dma_start3A_221 : memref<128xf32, #tpu.memory_space<vmem>>) target(%dma_start3A_226 : memref<10240xf32, #tpu.memory_space<vmem_shared>>) offsets(%dma_start3A_224 : memref<128xi32, #tpu.memory_space<vmem>>) semaphore(%arg17 : memref<!tpu.dma_semaphore, #tpu.memory_space<semaphore_mem>>) {add = true}
      %add3A_227 = arith.constant 2 : i32
      %add3A_228 = arith.addi %add3A_154, %add3A_227 : i32
      %lt3A_229 = arith.constant 80 : i32
      %lt3A_230 = arith.cmpi slt, %add3A_228, %lt3A_229 : i32
      %convert_element_type3A_231 = arith.extui %lt3A_230 : i1 to i32
      %cond3A_232 = arith.constant 0 : i32
      %cond3A_233 = arith.cmpi ne, %convert_element_type3A_231, %cond3A_232 : i32
      scf.if %cond3A_233 {
        %add3A_396 = arith.constant 2 : i32
        %add3A_397 = arith.addi %add3A_154, %add3A_396 : i32
        %dma_start3A_398 = arith.constant 3 : i32
        %dma_start3A_399 = arith.constant 0 : i32
        %dma_start3A_400 = tpu.memref_slice %arg8[%dma_start3A_398, %dma_start3A_399] : memref<4x128xi32, #tpu.memory_space<vmem>> -> memref<1x128xi32, #tpu.memory_space<vmem>>
        %dma_start3A_401 = tpu.memref_squeeze %dma_start3A_400 : memref<1x128xi32, #tpu.memory_space<vmem>> -> memref<128xi32, #tpu.memory_space<vmem>>
        %dma_start3A_402 = arith.constant 0 : i32
        %dma_start3A_403 = tpu.memref_slice %arg2[%add3A, %add3A_397, %dma_start3A_402] : memref<32x80x128xi32, #tpu.memory_space<hbm>> -> memref<1x1x128xi32, #tpu.memory_space<hbm>>
        %dma_start3A_404 = tpu.memref_squeeze %dma_start3A_403 : memref<1x1x128xi32, #tpu.memory_space<hbm>> -> memref<128xi32, #tpu.memory_space<hbm>>
        %dma_start3A_405 = arith.constant 0 : i32
        %dma_start3A_406 = tpu.memref_slice %arg8[%dma_start3A_398, %dma_start3A_405] : memref<4x128xi32, #tpu.memory_space<vmem>> -> memref<1x128xi32, #tpu.memory_space<vmem>>
        %dma_start3A_407 = tpu.memref_squeeze %dma_start3A_406 : memref<1x128xi32, #tpu.memory_space<vmem>> -> memref<128xi32, #tpu.memory_space<vmem>>
        %dma_start3A_408 = arith.constant 0 : i32
        %dma_start3A_409 = tpu.memref_slice %arg2[%add3A, %add3A_397, %dma_start3A_408] : memref<32x80x128xi32, #tpu.memory_space<hbm>> -> memref<1x1x128xi32, #tpu.memory_space<hbm>>
        %dma_start3A_410 = tpu.memref_squeeze %dma_start3A_409 : memref<1x1x128xi32, #tpu.memory_space<hbm>> -> memref<128xi32, #tpu.memory_space<hbm>>
        tpu.enqueue_dma source(%dma_start3A_410 : memref<128xi32, #tpu.memory_space<hbm>>) target(%dma_start3A_407 : memref<128xi32, #tpu.memory_space<vmem>>) target_semaphore(%arg16 : memref<!tpu.dma_semaphore, #tpu.memory_space<semaphore_mem>>)
      } else {
      }
      %add3A_234 = arith.constant 2 : i32
      %add3A_235 = arith.addi %add3A_92, %add3A_234 : i32
      %dma_wait3A_236 = arith.constant 0 : i32
      %dma_wait3A_237 = arith.constant 0 : i32
      %dma_wait3A_238 = arith.constant 0 : i32
      %dma_wait3A_239 = arith.constant 0 : i32
      %dma_wait3A_240 = tpu.memref_slice %arg11[%dma_wait3A_237, %dma_wait3A_238, %dma_wait3A_239] : memref<2x128x128xf32, #tpu.memory_space<vmem>> -> memref<1x128x128xf32, #tpu.memory_space<vmem>>
      %dma_wait3A_241 = tpu.memref_squeeze %dma_wait3A_240 : memref<1x128x128xf32, #tpu.memory_space<vmem>> -> memref<128x128xf32, #tpu.memory_space<vmem>>
      %dma_wait3A_242 = arith.constant 0 : i32
      %dma_wait3A_243 = tpu.memref_slice %arg8[%dma_wait3A_236, %dma_wait3A_242] : memref<4x128xi32, #tpu.memory_space<vmem>> -> memref<1x128xi32, #tpu.memory_space<vmem>>
      %dma_wait3A_244 = tpu.memref_squeeze %dma_wait3A_243 : memref<1x128xi32, #tpu.memory_space<vmem>> -> memref<128xi32, #tpu.memory_space<vmem>>
      %dma_wait3A_245 = arith.constant 0 : i32
      %dma_wait3A_246 = arith.constant 0 : i32
      %dma_wait3A_247 = tpu.memref_slice %arg4[%dma_wait3A_245, %dma_wait3A_246] : memref<10240x128xf32, #tpu.memory_space<hbm>> -> memref<10240x128xf32, #tpu.memory_space<hbm>>
      tpu.wait_indirect_dma semaphore(%arg15 : memref<!tpu.dma_semaphore, #tpu.memory_space<semaphore_mem>>) src(%dma_wait3A_247 : memref<10240x128xf32, #tpu.memory_space<hbm>>) dst(%dma_wait3A_241 : memref<128x128xf32, #tpu.memory_space<vmem>>)
      %dma_wait3A_248 = arith.constant 0 : i32
      %dma_wait3A_249 = arith.constant 0 : i32
      %dma_wait3A_250 = arith.constant 0 : i32
      %dma_wait3A_251 = tpu.memref_slice %arg10[%dma_wait3A_249, %dma_wait3A_250] : memref<2x128xf32, #tpu.memory_space<vmem>> -> memref<1x128xf32, #tpu.memory_space<vmem>>
      %dma_wait3A_252 = tpu.memref_squeeze %dma_wait3A_251 : memref<1x128xf32, #tpu.memory_space<vmem>> -> memref<128xf32, #tpu.memory_space<vmem>>
      %dma_wait3A_253 = arith.constant 0 : i32
      %dma_wait3A_254 = tpu.memref_slice %arg9[%dma_wait3A_248, %dma_wait3A_253] : memref<80x128xi32, #tpu.memory_space<vmem>> -> memref<1x128xi32, #tpu.memory_space<vmem>>
      %dma_wait3A_255 = tpu.memref_squeeze %dma_wait3A_254 : memref<1x128xi32, #tpu.memory_space<vmem>> -> memref<128xi32, #tpu.memory_space<vmem>>
      %dma_wait3A_256 = arith.constant 0 : i32
      %dma_wait3A_257 = tpu.memref_slice %arg5[%dma_wait3A_256] : memref<10240xf32, #tpu.memory_space<hbm>> -> memref<10240xf32, #tpu.memory_space<hbm>>
      tpu.wait_indirect_dma semaphore(%arg15 : memref<!tpu.dma_semaphore, #tpu.memory_space<semaphore_mem>>) src(%dma_wait3A_257 : memref<10240xf32, #tpu.memory_space<hbm>>) dst(%dma_wait3A_252 : memref<128xf32, #tpu.memory_space<vmem>>)
      %dma_wait3A_258 = arith.constant 1 : i32
      %dma_wait3A_259 = arith.constant 0 : i32
      %dma_wait3A_260 = arith.constant 0 : i32
      %dma_wait3A_261 = arith.constant 0 : i32
      %dma_wait3A_262 = tpu.memref_slice %arg11[%dma_wait3A_258, %dma_wait3A_260, %dma_wait3A_261] : memref<2x128x128xf32, #tpu.memory_space<vmem>> -> memref<1x128x128xf32, #tpu.memory_space<vmem>>
      %dma_wait3A_263 = tpu.memref_squeeze %dma_wait3A_262 : memref<1x128x128xf32, #tpu.memory_space<vmem>> -> memref<128x128xf32, #tpu.memory_space<vmem>>
      %dma_wait3A_264 = arith.constant 0 : i32
      %dma_wait3A_265 = tpu.memref_slice %arg9[%dma_wait3A_259, %dma_wait3A_264] : memref<80x128xi32, #tpu.memory_space<vmem>> -> memref<1x128xi32, #tpu.memory_space<vmem>>
      %dma_wait3A_266 = tpu.memref_squeeze %dma_wait3A_265 : memref<1x128xi32, #tpu.memory_space<vmem>> -> memref<128xi32, #tpu.memory_space<vmem>>
      %dma_wait3A_267 = arith.constant 0 : i32
      %dma_wait3A_268 = arith.constant 0 : i32
      %dma_wait3A_269 = tpu.memref_slice %arg13[%dma_wait3A_267, %dma_wait3A_268] : memref<10240x128xf32, #tpu.memory_space<vmem_shared>> -> memref<10240x128xf32, #tpu.memory_space<vmem_shared>>
      tpu.wait_indirect_dma semaphore(%arg17 : memref<!tpu.dma_semaphore, #tpu.memory_space<semaphore_mem>>) src(%dma_wait3A_263 : memref<128x128xf32, #tpu.memory_space<vmem>>) dst(%dma_wait3A_269 : memref<10240x128xf32, #tpu.memory_space<vmem_shared>>)
      %dma_wait3A_270 = arith.constant 1 : i32
      %dma_wait3A_271 = arith.constant 0 : i32
      %dma_wait3A_272 = arith.constant 0 : i32
      %dma_wait3A_273 = tpu.memref_slice %arg10[%dma_wait3A_270, %dma_wait3A_272] : memref<2x128xf32, #tpu.memory_space<vmem>> -> memref<1x128xf32, #tpu.memory_space<vmem>>
      %dma_wait3A_274 = tpu.memref_squeeze %dma_wait3A_273 : memref<1x128xf32, #tpu.memory_space<vmem>> -> memref<128xf32, #tpu.memory_space<vmem>>
      %dma_wait3A_275 = arith.constant 0 : i32
      %dma_wait3A_276 = tpu.memref_slice %arg8[%dma_wait3A_271, %dma_wait3A_275] : memref<4x128xi32, #tpu.memory_space<vmem>> -> memref<1x128xi32, #tpu.memory_space<vmem>>
      %dma_wait3A_277 = tpu.memref_squeeze %dma_wait3A_276 : memref<1x128xi32, #tpu.memory_space<vmem>> -> memref<128xi32, #tpu.memory_space<vmem>>
      %dma_wait3A_278 = arith.constant 0 : i32
      %dma_wait3A_279 = tpu.memref_slice %arg14[%dma_wait3A_278] : memref<10240xf32, #tpu.memory_space<vmem_shared>> -> memref<10240xf32, #tpu.memory_space<vmem_shared>>
      tpu.wait_indirect_dma semaphore(%arg17 : memref<!tpu.dma_semaphore, #tpu.memory_space<semaphore_mem>>) src(%dma_wait3A_274 : memref<128xf32, #tpu.memory_space<vmem>>) dst(%dma_wait3A_279 : memref<10240xf32, #tpu.memory_space<vmem_shared>>)
      %add3A_280 = arith.constant 1 : i32
      %add3A_281 = arith.addi %add3A_235, %add3A_280 : i32
      %lt3A_282 = arith.constant 80 : i32
      %lt3A_283 = arith.cmpi slt, %add3A_281, %lt3A_282 : i32
      %convert_element_type3A_284 = arith.extui %lt3A_283 : i1 to i32
      %cond3A_285 = arith.constant 0 : i32
      %cond3A_286 = arith.cmpi ne, %convert_element_type3A_284, %cond3A_285 : i32
      scf.if %cond3A_286 {
        %dma_wait3A_396 = arith.constant 0 : i32
        %dma_wait3A_397 = arith.constant 3 : i32
        %dma_wait3A_398 = arith.constant 0 : i32
        %dma_wait3A_399 = tpu.memref_slice %arg8[%dma_wait3A_397, %dma_wait3A_398] : memref<4x128xi32, #tpu.memory_space<vmem>> -> memref<1x128xi32, #tpu.memory_space<vmem>>
        %dma_wait3A_400 = tpu.memref_squeeze %dma_wait3A_399 : memref<1x128xi32, #tpu.memory_space<vmem>> -> memref<128xi32, #tpu.memory_space<vmem>>
        %dma_wait3A_401 = arith.constant 0 : i32
        %dma_wait3A_402 = tpu.memref_slice %arg2[%add3A, %dma_wait3A_396, %dma_wait3A_401] : memref<32x80x128xi32, #tpu.memory_space<hbm>> -> memref<1x1x128xi32, #tpu.memory_space<hbm>>
        %dma_wait3A_403 = tpu.memref_squeeze %dma_wait3A_402 : memref<1x1x128xi32, #tpu.memory_space<hbm>> -> memref<128xi32, #tpu.memory_space<hbm>>
        %dma_wait3A_404 = arith.constant 0 : i32
        %dma_wait3A_405 = tpu.memref_slice %arg8[%dma_wait3A_397, %dma_wait3A_404] : memref<4x128xi32, #tpu.memory_space<vmem>> -> memref<1x128xi32, #tpu.memory_space<vmem>>
        %dma_wait3A_406 = tpu.memref_squeeze %dma_wait3A_405 : memref<1x128xi32, #tpu.memory_space<vmem>> -> memref<128xi32, #tpu.memory_space<vmem>>
        %dma_wait3A_407 = arith.constant 0 : i32
        %dma_wait3A_408 = tpu.memref_slice %arg2[%add3A, %dma_wait3A_396, %dma_wait3A_407] : memref<32x80x128xi32, #tpu.memory_space<hbm>> -> memref<1x1x128xi32, #tpu.memory_space<hbm>>
        %dma_wait3A_409 = tpu.memref_squeeze %dma_wait3A_408 : memref<1x1x128xi32, #tpu.memory_space<hbm>> -> memref<128xi32, #tpu.memory_space<hbm>>
        tpu.wait_dma2 semaphore(%arg16 : memref<!tpu.dma_semaphore, #tpu.memory_space<semaphore_mem>>) src(%dma_wait3A_409 : memref<128xi32, #tpu.memory_space<hbm>>) dst(%dma_wait3A_406 : memref<128xi32, #tpu.memory_space<vmem>>)
        %add3A_410 = arith.constant 1 : i32
        %add3A_411 = arith.addi %add3A_235, %add3A_410 : i32
        %dma_start3A_412 = arith.constant 3 : i32
        %dma_start3A_413 = arith.constant 1 : i32
        %dma_start3A_414 = arith.constant 0 : i32
        %dma_start3A_415 = arith.constant 0 : i32
        %dma_start3A_416 = tpu.memref_slice %arg11[%dma_start3A_413, %dma_start3A_414, %dma_start3A_415] : memref<2x128x128xf32, #tpu.memory_space<vmem>> -> memref<1x128x128xf32, #tpu.memory_space<vmem>>
        %dma_start3A_417 = tpu.memref_squeeze %dma_start3A_416 : memref<1x128x128xf32, #tpu.memory_space<vmem>> -> memref<128x128xf32, #tpu.memory_space<vmem>>
        %dma_start3A_418 = arith.constant 0 : i32
        %dma_start3A_419 = tpu.memref_slice %arg8[%dma_start3A_412, %dma_start3A_418] : memref<4x128xi32, #tpu.memory_space<vmem>> -> memref<1x128xi32, #tpu.memory_space<vmem>>
        %dma_start3A_420 = tpu.memref_squeeze %dma_start3A_419 : memref<1x128xi32, #tpu.memory_space<vmem>> -> memref<128xi32, #tpu.memory_space<vmem>>
        %dma_start3A_421 = arith.constant 0 : i32
        %dma_start3A_422 = arith.constant 0 : i32
        %dma_start3A_423 = tpu.memref_slice %arg4[%dma_start3A_421, %dma_start3A_422] : memref<10240x128xf32, #tpu.memory_space<hbm>> -> memref<10240x128xf32, #tpu.memory_space<hbm>>
        tpu.enqueue_indirect_dma source(%dma_start3A_423 : memref<10240x128xf32, #tpu.memory_space<hbm>>) target(%dma_start3A_417 : memref<128x128xf32, #tpu.memory_space<vmem>>) offsets(%dma_start3A_420 : memref<128xi32, #tpu.memory_space<vmem>>) semaphore(%arg15 : memref<!tpu.dma_semaphore, #tpu.memory_space<semaphore_mem>>)
        %dma_start3A_424 = arith.constant 1 : i32
        %dma_start3A_425 = arith.constant 0 : i32
        %dma_start3A_426 = tpu.memref_slice %arg10[%dma_start3A_424, %dma_start3A_425] : memref<2x128xf32, #tpu.memory_space<vmem>> -> memref<1x128xf32, #tpu.memory_space<vmem>>
        %dma_start3A_427 = tpu.memref_squeeze %dma_start3A_426 : memref<1x128xf32, #tpu.memory_space<vmem>> -> memref<128xf32, #tpu.memory_space<vmem>>
        %dma_start3A_428 = arith.constant 0 : i32
        %dma_start3A_429 = tpu.memref_slice %arg9[%add3A_411, %dma_start3A_428] : memref<80x128xi32, #tpu.memory_space<vmem>> -> memref<1x128xi32, #tpu.memory_space<vmem>>
        %dma_start3A_430 = tpu.memref_squeeze %dma_start3A_429 : memref<1x128xi32, #tpu.memory_space<vmem>> -> memref<128xi32, #tpu.memory_space<vmem>>
        %dma_start3A_431 = arith.constant 0 : i32
        %dma_start3A_432 = tpu.memref_slice %arg5[%dma_start3A_431] : memref<10240xf32, #tpu.memory_space<hbm>> -> memref<10240xf32, #tpu.memory_space<hbm>>
        tpu.enqueue_indirect_dma source(%dma_start3A_432 : memref<10240xf32, #tpu.memory_space<hbm>>) target(%dma_start3A_427 : memref<128xf32, #tpu.memory_space<vmem>>) offsets(%dma_start3A_430 : memref<128xi32, #tpu.memory_space<vmem>>) semaphore(%arg15 : memref<!tpu.dma_semaphore, #tpu.memory_space<semaphore_mem>>)
      } else {
      }
      %dma_start3A_287 = arith.constant 0 : i32
      %dma_start3A_288 = arith.constant 0 : i32
      %dma_start3A_289 = arith.constant 0 : i32
      %dma_start3A_290 = tpu.memref_slice %arg11[%dma_start3A_287, %dma_start3A_288, %dma_start3A_289] : memref<2x128x128xf32, #tpu.memory_space<vmem>> -> memref<1x128x128xf32, #tpu.memory_space<vmem>>
      %dma_start3A_291 = tpu.memref_squeeze %dma_start3A_290 : memref<1x128x128xf32, #tpu.memory_space<vmem>> -> memref<128x128xf32, #tpu.memory_space<vmem>>
      %dma_start3A_292 = arith.constant 0 : i32
      %dma_start3A_293 = tpu.memref_slice %arg9[%add3A_235, %dma_start3A_292] : memref<80x128xi32, #tpu.memory_space<vmem>> -> memref<1x128xi32, #tpu.memory_space<vmem>>
      %dma_start3A_294 = tpu.memref_squeeze %dma_start3A_293 : memref<1x128xi32, #tpu.memory_space<vmem>> -> memref<128xi32, #tpu.memory_space<vmem>>
      %dma_start3A_295 = arith.constant 0 : i32
      %dma_start3A_296 = arith.constant 0 : i32
      %dma_start3A_297 = tpu.memref_slice %arg13[%dma_start3A_295, %dma_start3A_296] : memref<10240x128xf32, #tpu.memory_space<vmem_shared>> -> memref<10240x128xf32, #tpu.memory_space<vmem_shared>>
      tpu.enqueue_indirect_dma source(%dma_start3A_291 : memref<128x128xf32, #tpu.memory_space<vmem>>) target(%dma_start3A_297 : memref<10240x128xf32, #tpu.memory_space<vmem_shared>>) offsets(%dma_start3A_294 : memref<128xi32, #tpu.memory_space<vmem>>) semaphore(%arg17 : memref<!tpu.dma_semaphore, #tpu.memory_space<semaphore_mem>>) {add = true}
      %dma_start3A_298 = arith.constant 0 : i32
      %dma_start3A_299 = arith.constant 2 : i32
      %dma_start3A_300 = arith.constant 0 : i32
      %dma_start3A_301 = tpu.memref_slice %arg10[%dma_start3A_298, %dma_start3A_300] : memref<2x128xf32, #tpu.memory_space<vmem>> -> memref<1x128xf32, #tpu.memory_space<vmem>>
      %dma_start3A_302 = tpu.memref_squeeze %dma_start3A_301 : memref<1x128xf32, #tpu.memory_space<vmem>> -> memref<128xf32, #tpu.memory_space<vmem>>
      %dma_start3A_303 = arith.constant 0 : i32
      %dma_start3A_304 = tpu.memref_slice %arg8[%dma_start3A_299, %dma_start3A_303] : memref<4x128xi32, #tpu.memory_space<vmem>> -> memref<1x128xi32, #tpu.memory_space<vmem>>
      %dma_start3A_305 = tpu.memref_squeeze %dma_start3A_304 : memref<1x128xi32, #tpu.memory_space<vmem>> -> memref<128xi32, #tpu.memory_space<vmem>>
      %dma_start3A_306 = arith.constant 0 : i32
      %dma_start3A_307 = tpu.memref_slice %arg14[%dma_start3A_306] : memref<10240xf32, #tpu.memory_space<vmem_shared>> -> memref<10240xf32, #tpu.memory_space<vmem_shared>>
      tpu.enqueue_indirect_dma source(%dma_start3A_302 : memref<128xf32, #tpu.memory_space<vmem>>) target(%dma_start3A_307 : memref<10240xf32, #tpu.memory_space<vmem_shared>>) offsets(%dma_start3A_305 : memref<128xi32, #tpu.memory_space<vmem>>) semaphore(%arg17 : memref<!tpu.dma_semaphore, #tpu.memory_space<semaphore_mem>>) {add = true}
      %add3A_308 = arith.constant 2 : i32
      %add3A_309 = arith.addi %add3A_235, %add3A_308 : i32
      %lt3A_310 = arith.constant 80 : i32
      %lt3A_311 = arith.cmpi slt, %add3A_309, %lt3A_310 : i32
      %convert_element_type3A_312 = arith.extui %lt3A_311 : i1 to i32
      %cond3A_313 = arith.constant 0 : i32
      %cond3A_314 = arith.cmpi ne, %convert_element_type3A_312, %cond3A_313 : i32
      scf.if %cond3A_314 {
        %add3A_396 = arith.constant 2 : i32
        %add3A_397 = arith.addi %add3A_235, %add3A_396 : i32
        %dma_start3A_398 = arith.constant 0 : i32
        %dma_start3A_399 = arith.constant 0 : i32
        %dma_start3A_400 = tpu.memref_slice %arg8[%dma_start3A_398, %dma_start3A_399] : memref<4x128xi32, #tpu.memory_space<vmem>> -> memref<1x128xi32, #tpu.memory_space<vmem>>
        %dma_start3A_401 = tpu.memref_squeeze %dma_start3A_400 : memref<1x128xi32, #tpu.memory_space<vmem>> -> memref<128xi32, #tpu.memory_space<vmem>>
        %dma_start3A_402 = arith.constant 0 : i32
        %dma_start3A_403 = tpu.memref_slice %arg2[%add3A, %add3A_397, %dma_start3A_402] : memref<32x80x128xi32, #tpu.memory_space<hbm>> -> memref<1x1x128xi32, #tpu.memory_space<hbm>>
        %dma_start3A_404 = tpu.memref_squeeze %dma_start3A_403 : memref<1x1x128xi32, #tpu.memory_space<hbm>> -> memref<128xi32, #tpu.memory_space<hbm>>
        %dma_start3A_405 = arith.constant 0 : i32
        %dma_start3A_406 = tpu.memref_slice %arg8[%dma_start3A_398, %dma_start3A_405] : memref<4x128xi32, #tpu.memory_space<vmem>> -> memref<1x128xi32, #tpu.memory_space<vmem>>
        %dma_start3A_407 = tpu.memref_squeeze %dma_start3A_406 : memref<1x128xi32, #tpu.memory_space<vmem>> -> memref<128xi32, #tpu.memory_space<vmem>>
        %dma_start3A_408 = arith.constant 0 : i32
        %dma_start3A_409 = tpu.memref_slice %arg2[%add3A, %add3A_397, %dma_start3A_408] : memref<32x80x128xi32, #tpu.memory_space<hbm>> -> memref<1x1x128xi32, #tpu.memory_space<hbm>>
        %dma_start3A_410 = tpu.memref_squeeze %dma_start3A_409 : memref<1x1x128xi32, #tpu.memory_space<hbm>> -> memref<128xi32, #tpu.memory_space<hbm>>
        tpu.enqueue_dma source(%dma_start3A_410 : memref<128xi32, #tpu.memory_space<hbm>>) target(%dma_start3A_407 : memref<128xi32, #tpu.memory_space<vmem>>) target_semaphore(%arg16 : memref<!tpu.dma_semaphore, #tpu.memory_space<semaphore_mem>>)
      } else {
      }
      %add3A_315 = arith.constant 3 : i32
      %add3A_316 = arith.addi %add3A_92, %add3A_315 : i32
      %dma_wait3A_317 = arith.constant 0 : i32
      %dma_wait3A_318 = arith.constant 1 : i32
      %dma_wait3A_319 = arith.constant 0 : i32
      %dma_wait3A_320 = arith.constant 0 : i32
      %dma_wait3A_321 = tpu.memref_slice %arg11[%dma_wait3A_318, %dma_wait3A_319, %dma_wait3A_320] : memref<2x128x128xf32, #tpu.memory_space<vmem>> -> memref<1x128x128xf32, #tpu.memory_space<vmem>>
      %dma_wait3A_322 = tpu.memref_squeeze %dma_wait3A_321 : memref<1x128x128xf32, #tpu.memory_space<vmem>> -> memref<128x128xf32, #tpu.memory_space<vmem>>
      %dma_wait3A_323 = arith.constant 0 : i32
      %dma_wait3A_324 = tpu.memref_slice %arg8[%dma_wait3A_317, %dma_wait3A_323] : memref<4x128xi32, #tpu.memory_space<vmem>> -> memref<1x128xi32, #tpu.memory_space<vmem>>
      %dma_wait3A_325 = tpu.memref_squeeze %dma_wait3A_324 : memref<1x128xi32, #tpu.memory_space<vmem>> -> memref<128xi32, #tpu.memory_space<vmem>>
      %dma_wait3A_326 = arith.constant 0 : i32
      %dma_wait3A_327 = arith.constant 0 : i32
      %dma_wait3A_328 = tpu.memref_slice %arg4[%dma_wait3A_326, %dma_wait3A_327] : memref<10240x128xf32, #tpu.memory_space<hbm>> -> memref<10240x128xf32, #tpu.memory_space<hbm>>
      tpu.wait_indirect_dma semaphore(%arg15 : memref<!tpu.dma_semaphore, #tpu.memory_space<semaphore_mem>>) src(%dma_wait3A_328 : memref<10240x128xf32, #tpu.memory_space<hbm>>) dst(%dma_wait3A_322 : memref<128x128xf32, #tpu.memory_space<vmem>>)
      %dma_wait3A_329 = arith.constant 0 : i32
      %dma_wait3A_330 = arith.constant 1 : i32
      %dma_wait3A_331 = arith.constant 0 : i32
      %dma_wait3A_332 = tpu.memref_slice %arg10[%dma_wait3A_330, %dma_wait3A_331] : memref<2x128xf32, #tpu.memory_space<vmem>> -> memref<1x128xf32, #tpu.memory_space<vmem>>
      %dma_wait3A_333 = tpu.memref_squeeze %dma_wait3A_332 : memref<1x128xf32, #tpu.memory_space<vmem>> -> memref<128xf32, #tpu.memory_space<vmem>>
      %dma_wait3A_334 = arith.constant 0 : i32
      %dma_wait3A_335 = tpu.memref_slice %arg9[%dma_wait3A_329, %dma_wait3A_334] : memref<80x128xi32, #tpu.memory_space<vmem>> -> memref<1x128xi32, #tpu.memory_space<vmem>>
      %dma_wait3A_336 = tpu.memref_squeeze %dma_wait3A_335 : memref<1x128xi32, #tpu.memory_space<vmem>> -> memref<128xi32, #tpu.memory_space<vmem>>
      %dma_wait3A_337 = arith.constant 0 : i32
      %dma_wait3A_338 = tpu.memref_slice %arg5[%dma_wait3A_337] : memref<10240xf32, #tpu.memory_space<hbm>> -> memref<10240xf32, #tpu.memory_space<hbm>>
      tpu.wait_indirect_dma semaphore(%arg15 : memref<!tpu.dma_semaphore, #tpu.memory_space<semaphore_mem>>) src(%dma_wait3A_338 : memref<10240xf32, #tpu.memory_space<hbm>>) dst(%dma_wait3A_333 : memref<128xf32, #tpu.memory_space<vmem>>)
      %dma_wait3A_339 = arith.constant 0 : i32
      %dma_wait3A_340 = arith.constant 0 : i32
      %dma_wait3A_341 = arith.constant 0 : i32
      %dma_wait3A_342 = arith.constant 0 : i32
      %dma_wait3A_343 = tpu.memref_slice %arg11[%dma_wait3A_339, %dma_wait3A_341, %dma_wait3A_342] : memref<2x128x128xf32, #tpu.memory_space<vmem>> -> memref<1x128x128xf32, #tpu.memory_space<vmem>>
      %dma_wait3A_344 = tpu.memref_squeeze %dma_wait3A_343 : memref<1x128x128xf32, #tpu.memory_space<vmem>> -> memref<128x128xf32, #tpu.memory_space<vmem>>
      %dma_wait3A_345 = arith.constant 0 : i32
      %dma_wait3A_346 = tpu.memref_slice %arg9[%dma_wait3A_340, %dma_wait3A_345] : memref<80x128xi32, #tpu.memory_space<vmem>> -> memref<1x128xi32, #tpu.memory_space<vmem>>
      %dma_wait3A_347 = tpu.memref_squeeze %dma_wait3A_346 : memref<1x128xi32, #tpu.memory_space<vmem>> -> memref<128xi32, #tpu.memory_space<vmem>>
      %dma_wait3A_348 = arith.constant 0 : i32
      %dma_wait3A_349 = arith.constant 0 : i32
      %dma_wait3A_350 = tpu.memref_slice %arg13[%dma_wait3A_348, %dma_wait3A_349] : memref<10240x128xf32, #tpu.memory_space<vmem_shared>> -> memref<10240x128xf32, #tpu.memory_space<vmem_shared>>
      tpu.wait_indirect_dma semaphore(%arg17 : memref<!tpu.dma_semaphore, #tpu.memory_space<semaphore_mem>>) src(%dma_wait3A_344 : memref<128x128xf32, #tpu.memory_space<vmem>>) dst(%dma_wait3A_350 : memref<10240x128xf32, #tpu.memory_space<vmem_shared>>)
      %dma_wait3A_351 = arith.constant 0 : i32
      %dma_wait3A_352 = arith.constant 0 : i32
      %dma_wait3A_353 = arith.constant 0 : i32
      %dma_wait3A_354 = tpu.memref_slice %arg10[%dma_wait3A_351, %dma_wait3A_353] : memref<2x128xf32, #tpu.memory_space<vmem>> -> memref<1x128xf32, #tpu.memory_space<vmem>>
      %dma_wait3A_355 = tpu.memref_squeeze %dma_wait3A_354 : memref<1x128xf32, #tpu.memory_space<vmem>> -> memref<128xf32, #tpu.memory_space<vmem>>
      %dma_wait3A_356 = arith.constant 0 : i32
      %dma_wait3A_357 = tpu.memref_slice %arg8[%dma_wait3A_352, %dma_wait3A_356] : memref<4x128xi32, #tpu.memory_space<vmem>> -> memref<1x128xi32, #tpu.memory_space<vmem>>
      %dma_wait3A_358 = tpu.memref_squeeze %dma_wait3A_357 : memref<1x128xi32, #tpu.memory_space<vmem>> -> memref<128xi32, #tpu.memory_space<vmem>>
      %dma_wait3A_359 = arith.constant 0 : i32
      %dma_wait3A_360 = tpu.memref_slice %arg14[%dma_wait3A_359] : memref<10240xf32, #tpu.memory_space<vmem_shared>> -> memref<10240xf32, #tpu.memory_space<vmem_shared>>
      tpu.wait_indirect_dma semaphore(%arg17 : memref<!tpu.dma_semaphore, #tpu.memory_space<semaphore_mem>>) src(%dma_wait3A_355 : memref<128xf32, #tpu.memory_space<vmem>>) dst(%dma_wait3A_360 : memref<10240xf32, #tpu.memory_space<vmem_shared>>)
      %add3A_361 = arith.constant 1 : i32
      %add3A_362 = arith.addi %add3A_316, %add3A_361 : i32
      %lt3A_363 = arith.constant 80 : i32
      %lt3A_364 = arith.cmpi slt, %add3A_362, %lt3A_363 : i32
      %convert_element_type3A_365 = arith.extui %lt3A_364 : i1 to i32
      %cond3A_366 = arith.constant 0 : i32
      %cond3A_367 = arith.cmpi ne, %convert_element_type3A_365, %cond3A_366 : i32
      scf.if %cond3A_367 {
        %dma_wait3A_396 = arith.constant 0 : i32
        %dma_wait3A_397 = arith.constant 0 : i32
        %dma_wait3A_398 = arith.constant 0 : i32
        %dma_wait3A_399 = tpu.memref_slice %arg8[%dma_wait3A_397, %dma_wait3A_398] : memref<4x128xi32, #tpu.memory_space<vmem>> -> memref<1x128xi32, #tpu.memory_space<vmem>>
        %dma_wait3A_400 = tpu.memref_squeeze %dma_wait3A_399 : memref<1x128xi32, #tpu.memory_space<vmem>> -> memref<128xi32, #tpu.memory_space<vmem>>
        %dma_wait3A_401 = arith.constant 0 : i32
        %dma_wait3A_402 = tpu.memref_slice %arg2[%add3A, %dma_wait3A_396, %dma_wait3A_401] : memref<32x80x128xi32, #tpu.memory_space<hbm>> -> memref<1x1x128xi32, #tpu.memory_space<hbm>>
        %dma_wait3A_403 = tpu.memref_squeeze %dma_wait3A_402 : memref<1x1x128xi32, #tpu.memory_space<hbm>> -> memref<128xi32, #tpu.memory_space<hbm>>
        %dma_wait3A_404 = arith.constant 0 : i32
        %dma_wait3A_405 = tpu.memref_slice %arg8[%dma_wait3A_397, %dma_wait3A_404] : memref<4x128xi32, #tpu.memory_space<vmem>> -> memref<1x128xi32, #tpu.memory_space<vmem>>
        %dma_wait3A_406 = tpu.memref_squeeze %dma_wait3A_405 : memref<1x128xi32, #tpu.memory_space<vmem>> -> memref<128xi32, #tpu.memory_space<vmem>>
        %dma_wait3A_407 = arith.constant 0 : i32
        %dma_wait3A_408 = tpu.memref_slice %arg2[%add3A, %dma_wait3A_396, %dma_wait3A_407] : memref<32x80x128xi32, #tpu.memory_space<hbm>> -> memref<1x1x128xi32, #tpu.memory_space<hbm>>
        %dma_wait3A_409 = tpu.memref_squeeze %dma_wait3A_408 : memref<1x1x128xi32, #tpu.memory_space<hbm>> -> memref<128xi32, #tpu.memory_space<hbm>>
        tpu.wait_dma2 semaphore(%arg16 : memref<!tpu.dma_semaphore, #tpu.memory_space<semaphore_mem>>) src(%dma_wait3A_409 : memref<128xi32, #tpu.memory_space<hbm>>) dst(%dma_wait3A_406 : memref<128xi32, #tpu.memory_space<vmem>>)
        %add3A_410 = arith.constant 1 : i32
        %add3A_411 = arith.addi %add3A_316, %add3A_410 : i32
        %dma_start3A_412 = arith.constant 0 : i32
        %dma_start3A_413 = arith.constant 0 : i32
        %dma_start3A_414 = arith.constant 0 : i32
        %dma_start3A_415 = arith.constant 0 : i32
        %dma_start3A_416 = tpu.memref_slice %arg11[%dma_start3A_413, %dma_start3A_414, %dma_start3A_415] : memref<2x128x128xf32, #tpu.memory_space<vmem>> -> memref<1x128x128xf32, #tpu.memory_space<vmem>>
        %dma_start3A_417 = tpu.memref_squeeze %dma_start3A_416 : memref<1x128x128xf32, #tpu.memory_space<vmem>> -> memref<128x128xf32, #tpu.memory_space<vmem>>
        %dma_start3A_418 = arith.constant 0 : i32
        %dma_start3A_419 = tpu.memref_slice %arg8[%dma_start3A_412, %dma_start3A_418] : memref<4x128xi32, #tpu.memory_space<vmem>> -> memref<1x128xi32, #tpu.memory_space<vmem>>
        %dma_start3A_420 = tpu.memref_squeeze %dma_start3A_419 : memref<1x128xi32, #tpu.memory_space<vmem>> -> memref<128xi32, #tpu.memory_space<vmem>>
        %dma_start3A_421 = arith.constant 0 : i32
        %dma_start3A_422 = arith.constant 0 : i32
        %dma_start3A_423 = tpu.memref_slice %arg4[%dma_start3A_421, %dma_start3A_422] : memref<10240x128xf32, #tpu.memory_space<hbm>> -> memref<10240x128xf32, #tpu.memory_space<hbm>>
        tpu.enqueue_indirect_dma source(%dma_start3A_423 : memref<10240x128xf32, #tpu.memory_space<hbm>>) target(%dma_start3A_417 : memref<128x128xf32, #tpu.memory_space<vmem>>) offsets(%dma_start3A_420 : memref<128xi32, #tpu.memory_space<vmem>>) semaphore(%arg15 : memref<!tpu.dma_semaphore, #tpu.memory_space<semaphore_mem>>)
        %dma_start3A_424 = arith.constant 0 : i32
        %dma_start3A_425 = arith.constant 0 : i32
        %dma_start3A_426 = tpu.memref_slice %arg10[%dma_start3A_424, %dma_start3A_425] : memref<2x128xf32, #tpu.memory_space<vmem>> -> memref<1x128xf32, #tpu.memory_space<vmem>>
        %dma_start3A_427 = tpu.memref_squeeze %dma_start3A_426 : memref<1x128xf32, #tpu.memory_space<vmem>> -> memref<128xf32, #tpu.memory_space<vmem>>
        %dma_start3A_428 = arith.constant 0 : i32
        %dma_start3A_429 = tpu.memref_slice %arg9[%add3A_411, %dma_start3A_428] : memref<80x128xi32, #tpu.memory_space<vmem>> -> memref<1x128xi32, #tpu.memory_space<vmem>>
        %dma_start3A_430 = tpu.memref_squeeze %dma_start3A_429 : memref<1x128xi32, #tpu.memory_space<vmem>> -> memref<128xi32, #tpu.memory_space<vmem>>
        %dma_start3A_431 = arith.constant 0 : i32
        %dma_start3A_432 = tpu.memref_slice %arg5[%dma_start3A_431] : memref<10240xf32, #tpu.memory_space<hbm>> -> memref<10240xf32, #tpu.memory_space<hbm>>
        tpu.enqueue_indirect_dma source(%dma_start3A_432 : memref<10240xf32, #tpu.memory_space<hbm>>) target(%dma_start3A_427 : memref<128xf32, #tpu.memory_space<vmem>>) offsets(%dma_start3A_430 : memref<128xi32, #tpu.memory_space<vmem>>) semaphore(%arg15 : memref<!tpu.dma_semaphore, #tpu.memory_space<semaphore_mem>>)
      } else {
      }
      %dma_start3A_368 = arith.constant 1 : i32
      %dma_start3A_369 = arith.constant 0 : i32
      %dma_start3A_370 = arith.constant 0 : i32
      %dma_start3A_371 = tpu.memref_slice %arg11[%dma_start3A_368, %dma_start3A_369, %dma_start3A_370] : memref<2x128x128xf32, #tpu.memory_space<vmem>> -> memref<1x128x128xf32, #tpu.memory_space<vmem>>
      %dma_start3A_372 = tpu.memref_squeeze %dma_start3A_371 : memref<1x128x128xf32, #tpu.memory_space<vmem>> -> memref<128x128xf32, #tpu.memory_space<vmem>>
      %dma_start3A_373 = arith.constant 0 : i32
      %dma_start3A_374 = tpu.memref_slice %arg9[%add3A_316, %dma_start3A_373] : memref<80x128xi32, #tpu.memory_space<vmem>> -> memref<1x128xi32, #tpu.memory_space<vmem>>
      %dma_start3A_375 = tpu.memref_squeeze %dma_start3A_374 : memref<1x128xi32, #tpu.memory_space<vmem>> -> memref<128xi32, #tpu.memory_space<vmem>>
      %dma_start3A_376 = arith.constant 0 : i32
      %dma_start3A_377 = arith.constant 0 : i32
      %dma_start3A_378 = tpu.memref_slice %arg13[%dma_start3A_376, %dma_start3A_377] : memref<10240x128xf32, #tpu.memory_space<vmem_shared>> -> memref<10240x128xf32, #tpu.memory_space<vmem_shared>>
      tpu.enqueue_indirect_dma source(%dma_start3A_372 : memref<128x128xf32, #tpu.memory_space<vmem>>) target(%dma_start3A_378 : memref<10240x128xf32, #tpu.memory_space<vmem_shared>>) offsets(%dma_start3A_375 : memref<128xi32, #tpu.memory_space<vmem>>) semaphore(%arg17 : memref<!tpu.dma_semaphore, #tpu.memory_space<semaphore_mem>>) {add = true}
      %dma_start3A_379 = arith.constant 1 : i32
      %dma_start3A_380 = arith.constant 3 : i32
      %dma_start3A_381 = arith.constant 0 : i32
      %dma_start3A_382 = tpu.memref_slice %arg10[%dma_start3A_379, %dma_start3A_381] : memref<2x128xf32, #tpu.memory_space<vmem>> -> memref<1x128xf32, #tpu.memory_space<vmem>>
      %dma_start3A_383 = tpu.memref_squeeze %dma_start3A_382 : memref<1x128xf32, #tpu.memory_space<vmem>> -> memref<128xf32, #tpu.memory_space<vmem>>
      %dma_start3A_384 = arith.constant 0 : i32
      %dma_start3A_385 = tpu.memref_slice %arg8[%dma_start3A_380, %dma_start3A_384] : memref<4x128xi32, #tpu.memory_space<vmem>> -> memref<1x128xi32, #tpu.memory_space<vmem>>
      %dma_start3A_386 = tpu.memref_squeeze %dma_start3A_385 : memref<1x128xi32, #tpu.memory_space<vmem>> -> memref<128xi32, #tpu.memory_space<vmem>>
      %dma_start3A_387 = arith.constant 0 : i32
      %dma_start3A_388 = tpu.memref_slice %arg14[%dma_start3A_387] : memref<10240xf32, #tpu.memory_space<vmem_shared>> -> memref<10240xf32, #tpu.memory_space<vmem_shared>>
      tpu.enqueue_indirect_dma source(%dma_start3A_383 : memref<128xf32, #tpu.memory_space<vmem>>) target(%dma_start3A_388 : memref<10240xf32, #tpu.memory_space<vmem_shared>>) offsets(%dma_start3A_386 : memref<128xi32, #tpu.memory_space<vmem>>) semaphore(%arg17 : memref<!tpu.dma_semaphore, #tpu.memory_space<semaphore_mem>>) {add = true}
      %add3A_389 = arith.constant 2 : i32
      %add3A_390 = arith.addi %add3A_316, %add3A_389 : i32
      %lt3A_391 = arith.constant 80 : i32
      %lt3A_392 = arith.cmpi slt, %add3A_390, %lt3A_391 : i32
      %convert_element_type3A_393 = arith.extui %lt3A_392 : i1 to i32
      %cond3A_394 = arith.constant 0 : i32
      %cond3A_395 = arith.cmpi ne, %convert_element_type3A_393, %cond3A_394 : i32
      scf.if %cond3A_395 {
        %add3A_396 = arith.constant 2 : i32
        %add3A_397 = arith.addi %add3A_316, %add3A_396 : i32
        %dma_start3A_398 = arith.constant 1 : i32
        %dma_start3A_399 = arith.constant 0 : i32
        %dma_start3A_400 = tpu.memref_slice %arg8[%dma_start3A_398, %dma_start3A_399] : memref<4x128xi32, #tpu.memory_space<vmem>> -> memref<1x128xi32, #tpu.memory_space<vmem>>
        %dma_start3A_401 = tpu.memref_squeeze %dma_start3A_400 : memref<1x128xi32, #tpu.memory_space<vmem>> -> memref<128xi32, #tpu.memory_space<vmem>>
        %dma_start3A_402 = arith.constant 0 : i32
        %dma_start3A_403 = tpu.memref_slice %arg2[%add3A, %add3A_397, %dma_start3A_402] : memref<32x80x128xi32, #tpu.memory_space<hbm>> -> memref<1x1x128xi32, #tpu.memory_space<hbm>>
        %dma_start3A_404 = tpu.memref_squeeze %dma_start3A_403 : memref<1x1x128xi32, #tpu.memory_space<hbm>> -> memref<128xi32, #tpu.memory_space<hbm>>
        %dma_start3A_405 = arith.constant 0 : i32
        %dma_start3A_406 = tpu.memref_slice %arg8[%dma_start3A_398, %dma_start3A_405] : memref<4x128xi32, #tpu.memory_space<vmem>> -> memref<1x128xi32, #tpu.memory_space<vmem>>
        %dma_start3A_407 = tpu.memref_squeeze %dma_start3A_406 : memref<1x128xi32, #tpu.memory_space<vmem>> -> memref<128xi32, #tpu.memory_space<vmem>>
        %dma_start3A_408 = arith.constant 0 : i32
        %dma_start3A_409 = tpu.memref_slice %arg2[%add3A, %add3A_397, %dma_start3A_408] : memref<32x80x128xi32, #tpu.memory_space<hbm>> -> memref<1x1x128xi32, #tpu.memory_space<hbm>>
        %dma_start3A_410 = tpu.memref_squeeze %dma_start3A_409 : memref<1x1x128xi32, #tpu.memory_space<hbm>> -> memref<128xi32, #tpu.memory_space<hbm>>
        tpu.enqueue_dma source(%dma_start3A_410 : memref<128xi32, #tpu.memory_space<hbm>>) target(%dma_start3A_407 : memref<128xi32, #tpu.memory_space<vmem>>) target_semaphore(%arg16 : memref<!tpu.dma_semaphore, #tpu.memory_space<semaphore_mem>>)
      } else {
      }
    }
    %scan3A_57 = arith.constant 20 : i32
    %dma_wait3A = arith.constant 1 : i32
    %dma_wait3A_58 = arith.constant 0 : i32
    %dma_wait3A_59 = arith.constant 0 : i32
    %dma_wait3A_60 = arith.constant 0 : i32
    %dma_wait3A_61 = tpu.memref_slice %arg11[%dma_wait3A, %dma_wait3A_59, %dma_wait3A_60] : memref<2x128x128xf32, #tpu.memory_space<vmem>> -> memref<1x128x128xf32, #tpu.memory_space<vmem>>
    %dma_wait3A_62 = tpu.memref_squeeze %dma_wait3A_61 : memref<1x128x128xf32, #tpu.memory_space<vmem>> -> memref<128x128xf32, #tpu.memory_space<vmem>>
    %dma_wait3A_63 = arith.constant 0 : i32
    %dma_wait3A_64 = tpu.memref_slice %arg9[%dma_wait3A_58, %dma_wait3A_63] : memref<80x128xi32, #tpu.memory_space<vmem>> -> memref<1x128xi32, #tpu.memory_space<vmem>>
    %dma_wait3A_65 = tpu.memref_squeeze %dma_wait3A_64 : memref<1x128xi32, #tpu.memory_space<vmem>> -> memref<128xi32, #tpu.memory_space<vmem>>
    %dma_wait3A_66 = arith.constant 0 : i32
    %dma_wait3A_67 = arith.constant 0 : i32
    %dma_wait3A_68 = tpu.memref_slice %arg13[%dma_wait3A_66, %dma_wait3A_67] : memref<10240x128xf32, #tpu.memory_space<vmem_shared>> -> memref<10240x128xf32, #tpu.memory_space<vmem_shared>>
    tpu.wait_indirect_dma semaphore(%arg17 : memref<!tpu.dma_semaphore, #tpu.memory_space<semaphore_mem>>) src(%dma_wait3A_62 : memref<128x128xf32, #tpu.memory_space<vmem>>) dst(%dma_wait3A_68 : memref<10240x128xf32, #tpu.memory_space<vmem_shared>>)
    %dma_wait3A_69 = arith.constant 1 : i32
    %dma_wait3A_70 = arith.constant 0 : i32
    %dma_wait3A_71 = arith.constant 0 : i32
    %dma_wait3A_72 = tpu.memref_slice %arg10[%dma_wait3A_69, %dma_wait3A_71] : memref<2x128xf32, #tpu.memory_space<vmem>> -> memref<1x128xf32, #tpu.memory_space<vmem>>
    %dma_wait3A_73 = tpu.memref_squeeze %dma_wait3A_72 : memref<1x128xf32, #tpu.memory_space<vmem>> -> memref<128xf32, #tpu.memory_space<vmem>>
    %dma_wait3A_74 = arith.constant 0 : i32
    %dma_wait3A_75 = tpu.memref_slice %arg8[%dma_wait3A_70, %dma_wait3A_74] : memref<4x128xi32, #tpu.memory_space<vmem>> -> memref<1x128xi32, #tpu.memory_space<vmem>>
    %dma_wait3A_76 = tpu.memref_squeeze %dma_wait3A_75 : memref<1x128xi32, #tpu.memory_space<vmem>> -> memref<128xi32, #tpu.memory_space<vmem>>
    %dma_wait3A_77 = arith.constant 0 : i32
    %dma_wait3A_78 = tpu.memref_slice %arg14[%dma_wait3A_77] : memref<10240xf32, #tpu.memory_space<vmem_shared>> -> memref<10240xf32, #tpu.memory_space<vmem_shared>>
    tpu.wait_indirect_dma semaphore(%arg17 : memref<!tpu.dma_semaphore, #tpu.memory_space<semaphore_mem>>) src(%dma_wait3A_73 : memref<128xf32, #tpu.memory_space<vmem>>) dst(%dma_wait3A_78 : memref<10240xf32, #tpu.memory_space<vmem_shared>>)
    %barrier3A_79 = arith.constant 0 : index
    tpu.barrier barrier_id(%barrier3A_79)
    %mul3A_80 = arith.constant 640 : i32
    %mul3A_81 = arith.muli %arg1, %mul3A_80 : i32
    %mul3A_82 = arith.constant 640 : i32
    %mul3A_83 = arith.muli %arg1, %mul3A_82 : i32
    "tpu.region"() ({
      %run_scoped3A_88 = tpu.sem_alloc : memref<!tpu.dma_semaphore, #tpu.memory_space<semaphore_mem>>
      %dma_start3A_89 = arith.constant 0 : i32
      %dma_start3A_90 = tpu.memref_slice %arg6[%arg0, %mul3A_83, %dma_start3A_89] : memref<2x10240x128xf32, #tpu.memory_space<hbm>> -> memref<1x640x128xf32, #tpu.memory_space<hbm>>
      %dma_start3A_91 = tpu.memref_squeeze %dma_start3A_90 : memref<1x640x128xf32, #tpu.memory_space<hbm>> -> memref<640x128xf32, #tpu.memory_space<hbm>>
      %dma_start3A_92 = arith.constant 0 : i32
      %dma_start3A_93 = tpu.memref_slice %arg13[%mul3A_81, %dma_start3A_92] : memref<10240x128xf32, #tpu.memory_space<vmem_shared>> -> memref<640x128xf32, #tpu.memory_space<vmem_shared>>
      tpu.enqueue_dma source(%dma_start3A_93 : memref<640x128xf32, #tpu.memory_space<vmem_shared>>) target(%dma_start3A_91 : memref<640x128xf32, #tpu.memory_space<hbm>>) target_semaphore(%run_scoped3A_88 : memref<!tpu.dma_semaphore, #tpu.memory_space<semaphore_mem>>)
      %dma_wait3A_94 = arith.constant 0 : i32
      %dma_wait3A_95 = tpu.memref_slice %arg6[%arg0, %mul3A_83, %dma_wait3A_94] : memref<2x10240x128xf32, #tpu.memory_space<hbm>> -> memref<1x640x128xf32, #tpu.memory_space<hbm>>
      %dma_wait3A_96 = tpu.memref_squeeze %dma_wait3A_95 : memref<1x640x128xf32, #tpu.memory_space<hbm>> -> memref<640x128xf32, #tpu.memory_space<hbm>>
      %dma_wait3A_97 = arith.constant 0 : i32
      %dma_wait3A_98 = tpu.memref_slice %arg13[%mul3A_81, %dma_wait3A_97] : memref<10240x128xf32, #tpu.memory_space<vmem_shared>> -> memref<640x128xf32, #tpu.memory_space<vmem_shared>>
      tpu.wait_dma2 semaphore(%run_scoped3A_88 : memref<!tpu.dma_semaphore, #tpu.memory_space<semaphore_mem>>) src(%dma_wait3A_98 : memref<640x128xf32, #tpu.memory_space<vmem_shared>>) dst(%dma_wait3A_96 : memref<640x128xf32, #tpu.memory_space<hbm>>)
      tpu.yield
    }) : () -> ()
    %mul3A_84 = arith.constant 640 : i32
    %mul3A_85 = arith.muli %arg1, %mul3A_84 : i32
    %mul3A_86 = arith.constant 640 : i32
    %mul3A_87 = arith.muli %arg1, %mul3A_86 : i32
    "tpu.region"() ({
      %run_scoped3A_88 = tpu.sem_alloc : memref<!tpu.dma_semaphore, #tpu.memory_space<semaphore_mem>>
      %dma_start3A_89 = tpu.memref_slice %arg7[%arg0, %mul3A_87] : memref<2x10240xf32, #tpu.memory_space<hbm>> -> memref<1x640xf32, #tpu.memory_space<hbm>>
      %dma_start3A_90 = tpu.memref_squeeze %dma_start3A_89 : memref<1x640xf32, #tpu.memory_space<hbm>> -> memref<640xf32, #tpu.memory_space<hbm>>
      %dma_start3A_91 = tpu.memref_slice %arg14[%mul3A_85] : memref<10240xf32, #tpu.memory_space<vmem_shared>> -> memref<640xf32, #tpu.memory_space<vmem_shared>>
      tpu.enqueue_dma source(%dma_start3A_91 : memref<640xf32, #tpu.memory_space<vmem_shared>>) target(%dma_start3A_90 : memref<640xf32, #tpu.memory_space<hbm>>) target_semaphore(%run_scoped3A_88 : memref<!tpu.dma_semaphore, #tpu.memory_space<semaphore_mem>>)
      %dma_wait3A_92 = tpu.memref_slice %arg7[%arg0, %mul3A_87] : memref<2x10240xf32, #tpu.memory_space<hbm>> -> memref<1x640xf32, #tpu.memory_space<hbm>>
      %dma_wait3A_93 = tpu.memref_squeeze %dma_wait3A_92 : memref<1x640xf32, #tpu.memory_space<hbm>> -> memref<640xf32, #tpu.memory_space<hbm>>
      %dma_wait3A_94 = tpu.memref_slice %arg14[%mul3A_85] : memref<10240xf32, #tpu.memory_space<vmem_shared>> -> memref<640xf32, #tpu.memory_space<vmem_shared>>
      tpu.wait_dma2 semaphore(%run_scoped3A_88 : memref<!tpu.dma_semaphore, #tpu.memory_space<semaphore_mem>>) src(%dma_wait3A_94 : memref<640xf32, #tpu.memory_space<vmem_shared>>) dst(%dma_wait3A_93 : memref<640xf32, #tpu.memory_space<hbm>>)
      tpu.yield
    }) : () -> ()
    return
  }
}

#map = affine_map<(d0, d1) -> (0, 0, 0)>
#map1 = affine_map<(d0, d1) -> (0, 0)>
module attributes {stable_mosaic.version = 14 : i64} {
  func.func @_deg_kernel(%arg0: i32, %arg1: i32, %arg2: memref<32x80x128xi32, #tpu.memory_space<hbm>>, %arg3: memref<2x10240xf32, #tpu.memory_space<hbm>>, %arg4: memref<80x128xi32, #tpu.memory_space<vmem>>, %arg5: memref<128xf32, #tpu.memory_space<vmem>>, %arg6: memref<640xf32, #tpu.memory_space<vmem>>, %arg7: memref<10240xf32, #tpu.memory_space<vmem_shared>>, %arg8: memref<!tpu.dma_semaphore, #tpu.memory_space<semaphore_mem>>) attributes {dimension_semantics = [#tpu.dimension_semantics<core_parallel>, #tpu.dimension_semantics<subcore_parallel>], iteration_bounds = array<i64: 2, 16>, scalar_prefetch = 0 : i64, scratch_operands = 5 : i64, tpu.core_type = #tpu.core_type<sc_vector_subcore>, window_params = [{transform_indices = #map}, {transform_indices = #map1}]} {
    %mul3A = arith.constant 16 : i32
    %mul3A_0 = arith.muli %arg0, %mul3A : i32
    %add3A = arith.addi %mul3A_0, %arg1 : i32
    "tpu.region"() ({
      %run_scoped3A = tpu.sem_alloc : memref<!tpu.dma_semaphore, #tpu.memory_space<semaphore_mem>>
      %dma_start3A = arith.constant 0 : i32
      %dma_start3A_27 = arith.constant 0 : i32
      %dma_start3A_28 = tpu.memref_slice %arg2[%add3A, %dma_start3A, %dma_start3A_27] : memref<32x80x128xi32, #tpu.memory_space<hbm>> -> memref<1x80x128xi32, #tpu.memory_space<hbm>>
      %dma_start3A_29 = tpu.memref_squeeze %dma_start3A_28 : memref<1x80x128xi32, #tpu.memory_space<hbm>> -> memref<80x128xi32, #tpu.memory_space<hbm>>
      %dma_start3A_30 = arith.constant 0 : i32
      %dma_start3A_31 = arith.constant 0 : i32
      %dma_start3A_32 = tpu.memref_slice %arg2[%add3A, %dma_start3A_30, %dma_start3A_31] : memref<32x80x128xi32, #tpu.memory_space<hbm>> -> memref<1x80x128xi32, #tpu.memory_space<hbm>>
      %dma_start3A_33 = tpu.memref_squeeze %dma_start3A_32 : memref<1x80x128xi32, #tpu.memory_space<hbm>> -> memref<80x128xi32, #tpu.memory_space<hbm>>
      tpu.enqueue_dma source(%dma_start3A_33 : memref<80x128xi32, #tpu.memory_space<hbm>>) target(%arg4 : memref<80x128xi32, #tpu.memory_space<vmem>>) target_semaphore(%run_scoped3A : memref<!tpu.dma_semaphore, #tpu.memory_space<semaphore_mem>>)
      %dma_wait3A = arith.constant 0 : i32
      %dma_wait3A_34 = arith.constant 0 : i32
      %dma_wait3A_35 = tpu.memref_slice %arg2[%add3A, %dma_wait3A, %dma_wait3A_34] : memref<32x80x128xi32, #tpu.memory_space<hbm>> -> memref<1x80x128xi32, #tpu.memory_space<hbm>>
      %dma_wait3A_36 = tpu.memref_squeeze %dma_wait3A_35 : memref<1x80x128xi32, #tpu.memory_space<hbm>> -> memref<80x128xi32, #tpu.memory_space<hbm>>
      %dma_wait3A_37 = arith.constant 0 : i32
      %dma_wait3A_38 = arith.constant 0 : i32
      %dma_wait3A_39 = tpu.memref_slice %arg2[%add3A, %dma_wait3A_37, %dma_wait3A_38] : memref<32x80x128xi32, #tpu.memory_space<hbm>> -> memref<1x80x128xi32, #tpu.memory_space<hbm>>
      %dma_wait3A_40 = tpu.memref_squeeze %dma_wait3A_39 : memref<1x80x128xi32, #tpu.memory_space<hbm>> -> memref<80x128xi32, #tpu.memory_space<hbm>>
      tpu.wait_dma2 semaphore(%run_scoped3A : memref<!tpu.dma_semaphore, #tpu.memory_space<semaphore_mem>>) src(%dma_wait3A_40 : memref<80x128xi32, #tpu.memory_space<hbm>>) dst(%arg4 : memref<80x128xi32, #tpu.memory_space<vmem>>)
      tpu.yield
    }) : () -> ()
    %scan3A = arith.constant 0 : i32
    %scan3A_1 = arith.constant 8 : i32
    %scan3A_2 = arith.addi %scan3A, %scan3A_1 : i32
    %scan3A_3 = arith.constant 1 : i32
    scf.for %scan3A_27 = %scan3A to %scan3A_2 step %scan3A_3  : i32 {
      %mul3A_28 = arith.constant 1 : i32
      %mul3A_29 = arith.muli %scan3A_27, %mul3A_28 : i32
      %add3A_30 = arith.constant 0 : i32
      %add3A_31 = arith.addi %add3A_30, %mul3A_29 : i32
      %broadcast_in_dim3A = arith.constant 1.000000e+00 : f32
      %broadcast_in_dim3A_32 = vector.broadcast %broadcast_in_dim3A : f32 to vector<16xf32>
      %mul3A_33 = arith.constant 16 : i32
      %mul3A_34 = arith.muli %add3A_31, %mul3A_33 : i32
      %swap3A = arith.index_cast %mul3A_34 : i32 to index
      %swap3A_35 = tpu.vector_load %arg5[%swap3A] {strides = array<i32>} : memref<128xf32, #tpu.memory_space<vmem>>, vector<16xf32>,
      %swap3A_36 = vector.shape_cast %swap3A_35 : vector<16xf32> to vector<16xf32>
      %swap3A_37 = vector.shape_cast %broadcast_in_dim3A_32 : vector<16xf32> to vector<16xf32>
      tpu.vector_store %arg5[%swap3A], %swap3A_37 {strides = array<i32>} : memref<128xf32, #tpu.memory_space<vmem>>, vector<16xf32>,
    }
    %scan3A_4 = arith.constant 8 : i32
    %scan3A_5 = arith.constant 0 : i32
    %scan3A_6 = arith.constant 40 : i32
    %scan3A_7 = arith.addi %scan3A_5, %scan3A_6 : i32
    %scan3A_8 = arith.constant 1 : i32
    scf.for %scan3A_27 = %scan3A_5 to %scan3A_7 step %scan3A_8  : i32 {
      %mul3A_28 = arith.constant 1 : i32
      %mul3A_29 = arith.muli %scan3A_27, %mul3A_28 : i32
      %add3A_30 = arith.constant 0 : i32
      %add3A_31 = arith.addi %add3A_30, %mul3A_29 : i32
      %broadcast_in_dim3A = arith.constant 0.000000e+00 : f32
      %broadcast_in_dim3A_32 = vector.broadcast %broadcast_in_dim3A : f32 to vector<16xf32>
      %mul3A_33 = arith.constant 16 : i32
      %mul3A_34 = arith.muli %add3A_31, %mul3A_33 : i32
      %swap3A = arith.index_cast %mul3A_34 : i32 to index
      %swap3A_35 = tpu.vector_load %arg6[%swap3A] {strides = array<i32>} : memref<640xf32, #tpu.memory_space<vmem>>, vector<16xf32>,
      %swap3A_36 = vector.shape_cast %swap3A_35 : vector<16xf32> to vector<16xf32>
      %swap3A_37 = vector.shape_cast %broadcast_in_dim3A_32 : vector<16xf32> to vector<16xf32>
      tpu.vector_store %arg6[%swap3A], %swap3A_37 {strides = array<i32>} : memref<640xf32, #tpu.memory_space<vmem>>, vector<16xf32>,
    }
    %scan3A_9 = arith.constant 40 : i32
    %mul3A_10 = arith.constant 640 : i32
    %mul3A_11 = arith.muli %arg1, %mul3A_10 : i32
    "tpu.region"() ({
      %run_scoped3A = tpu.sem_alloc : memref<!tpu.dma_semaphore, #tpu.memory_space<semaphore_mem>>
      %dma_start3A = tpu.memref_slice %arg7[%mul3A_11] : memref<10240xf32, #tpu.memory_space<vmem_shared>> -> memref<640xf32, #tpu.memory_space<vmem_shared>>
      %dma_start3A_27 = tpu.memref_slice %arg7[%mul3A_11] : memref<10240xf32, #tpu.memory_space<vmem_shared>> -> memref<640xf32, #tpu.memory_space<vmem_shared>>
      tpu.enqueue_dma source(%arg6 : memref<640xf32, #tpu.memory_space<vmem>>) target(%dma_start3A_27 : memref<640xf32, #tpu.memory_space<vmem_shared>>) target_semaphore(%run_scoped3A : memref<!tpu.dma_semaphore, #tpu.memory_space<semaphore_mem>>)
      %dma_wait3A = tpu.memref_slice %arg7[%mul3A_11] : memref<10240xf32, #tpu.memory_space<vmem_shared>> -> memref<640xf32, #tpu.memory_space<vmem_shared>>
      %dma_wait3A_28 = tpu.memref_slice %arg7[%mul3A_11] : memref<10240xf32, #tpu.memory_space<vmem_shared>> -> memref<640xf32, #tpu.memory_space<vmem_shared>>
      tpu.wait_dma2 semaphore(%run_scoped3A : memref<!tpu.dma_semaphore, #tpu.memory_space<semaphore_mem>>) src(%arg6 : memref<640xf32, #tpu.memory_space<vmem>>) dst(%dma_wait3A_28 : memref<640xf32, #tpu.memory_space<vmem_shared>>)
      tpu.yield
    }) : () -> ()
    %barrier3A = arith.constant 0 : index
    tpu.barrier barrier_id(%barrier3A)
    %scan3A_12 = arith.constant 0 : i32
    %scan3A_13 = arith.constant 80 : i32
    %scan3A_14 = arith.addi %scan3A_12, %scan3A_13 : i32
    %scan3A_15 = arith.constant 1 : i32
    scf.for %scan3A_27 = %scan3A_12 to %scan3A_14 step %scan3A_15  : i32 {
      %mul3A_28 = arith.constant 1 : i32
      %mul3A_29 = arith.muli %scan3A_27, %mul3A_28 : i32
      %add3A_30 = arith.constant 0 : i32
      %add3A_31 = arith.addi %add3A_30, %mul3A_29 : i32
      %dma_start3A = arith.constant 0 : i32
      %dma_start3A_32 = tpu.memref_slice %arg4[%add3A_31, %dma_start3A] : memref<80x128xi32, #tpu.memory_space<vmem>> -> memref<1x128xi32, #tpu.memory_space<vmem>>
      %dma_start3A_33 = tpu.memref_squeeze %dma_start3A_32 : memref<1x128xi32, #tpu.memory_space<vmem>> -> memref<128xi32, #tpu.memory_space<vmem>>
      %dma_start3A_34 = arith.constant 0 : i32
      %dma_start3A_35 = tpu.memref_slice %arg7[%dma_start3A_34] : memref<10240xf32, #tpu.memory_space<vmem_shared>> -> memref<10240xf32, #tpu.memory_space<vmem_shared>>
      tpu.enqueue_indirect_dma source(%arg5 : memref<128xf32, #tpu.memory_space<vmem>>) target(%dma_start3A_35 : memref<10240xf32, #tpu.memory_space<vmem_shared>>) offsets(%dma_start3A_33 : memref<128xi32, #tpu.memory_space<vmem>>) semaphore(%arg8 : memref<!tpu.dma_semaphore, #tpu.memory_space<semaphore_mem>>) {add = true}
    }
    %scan3A_16 = arith.constant 80 : i32
    %scan3A_17 = arith.constant 0 : i32
    %scan3A_18 = arith.constant 80 : i32
    %scan3A_19 = arith.addi %scan3A_17, %scan3A_18 : i32
    %scan3A_20 = arith.constant 1 : i32
    scf.for %scan3A_27 = %scan3A_17 to %scan3A_19 step %scan3A_20  : i32 {
      %mul3A_28 = arith.constant 1 : i32
      %mul3A_29 = arith.muli %scan3A_27, %mul3A_28 : i32
      %add3A_30 = arith.constant 0 : i32
      %add3A_31 = arith.addi %add3A_30, %mul3A_29 : i32
      %dma_wait3A = arith.constant 0 : i32
      %dma_wait3A_32 = arith.constant 0 : i32
      %dma_wait3A_33 = tpu.memref_slice %arg4[%dma_wait3A, %dma_wait3A_32] : memref<80x128xi32, #tpu.memory_space<vmem>> -> memref<1x128xi32, #tpu.memory_space<vmem>>
      %dma_wait3A_34 = tpu.memref_squeeze %dma_wait3A_33 : memref<1x128xi32, #tpu.memory_space<vmem>> -> memref<128xi32, #tpu.memory_space<vmem>>
      %dma_wait3A_35 = arith.constant 0 : i32
      %dma_wait3A_36 = tpu.memref_slice %arg7[%dma_wait3A_35] : memref<10240xf32, #tpu.memory_space<vmem_shared>> -> memref<10240xf32, #tpu.memory_space<vmem_shared>>
      tpu.wait_indirect_dma semaphore(%arg8 : memref<!tpu.dma_semaphore, #tpu.memory_space<semaphore_mem>>) src(%arg5 : memref<128xf32, #tpu.memory_space<vmem>>) dst(%dma_wait3A_36 : memref<10240xf32, #tpu.memory_space<vmem_shared>>)
    }
    %scan3A_21 = arith.constant 80 : i32
    %barrier3A_22 = arith.constant 0 : index
    tpu.barrier barrier_id(%barrier3A_22)
    %mul3A_23 = arith.constant 640 : i32
    %mul3A_24 = arith.muli %arg1, %mul3A_23 : i32
    %mul3A_25 = arith.constant 640 : i32
    %mul3A_26 = arith.muli %arg1, %mul3A_25 : i32
    "tpu.region"() ({
      %run_scoped3A = tpu.sem_alloc : memref<!tpu.dma_semaphore, #tpu.memory_space<semaphore_mem>>
      %dma_start3A = tpu.memref_slice %arg3[%arg0, %mul3A_26] : memref<2x10240xf32, #tpu.memory_space<hbm>> -> memref<1x640xf32, #tpu.memory_space<hbm>>
      %dma_start3A_27 = tpu.memref_squeeze %dma_start3A : memref<1x640xf32, #tpu.memory_space<hbm>> -> memref<640xf32, #tpu.memory_space<hbm>>
      %dma_start3A_28 = tpu.memref_slice %arg7[%mul3A_24] : memref<10240xf32, #tpu.memory_space<vmem_shared>> -> memref<640xf32, #tpu.memory_space<vmem_shared>>
      tpu.enqueue_dma source(%dma_start3A_28 : memref<640xf32, #tpu.memory_space<vmem_shared>>) target(%dma_start3A_27 : memref<640xf32, #tpu.memory_space<hbm>>) target_semaphore(%run_scoped3A : memref<!tpu.dma_semaphore, #tpu.memory_space<semaphore_mem>>)
      %dma_wait3A = tpu.memref_slice %arg3[%arg0, %mul3A_26] : memref<2x10240xf32, #tpu.memory_space<hbm>> -> memref<1x640xf32, #tpu.memory_space<hbm>>
      %dma_wait3A_29 = tpu.memref_squeeze %dma_wait3A : memref<1x640xf32, #tpu.memory_space<hbm>> -> memref<640xf32, #tpu.memory_space<hbm>>
      %dma_wait3A_30 = tpu.memref_slice %arg7[%mul3A_24] : memref<10240xf32, #tpu.memory_space<vmem_shared>> -> memref<640xf32, #tpu.memory_space<vmem_shared>>
      tpu.wait_dma2 semaphore(%run_scoped3A : memref<!tpu.dma_semaphore, #tpu.memory_space<semaphore_mem>>) src(%dma_wait3A_30 : memref<640xf32, #tpu.memory_space<vmem_shared>>) dst(%dma_wait3A_29 : memref<640xf32, #tpu.memory_space<hbm>>)
      tpu.yield
    }) : () -> ()
    return
  }
}

module attributes {stable_mosaic.version = 14 : i64} {
  func.func @_prep_body(%arg0: i32, %arg1: memref<1024x128xf32, #tpu.memory_space<vmem>>, %arg2: memref<128x128xf32, #tpu.memory_space<vmem>>, %arg3: memref<2x1024x1xf32, #tpu.memory_space<vmem>>, %arg4: memref<1024x128xf32, #tpu.memory_space<vmem>>, %arg5: memref<1024x1xf32, #tpu.memory_space<vmem>>) attributes {dimension_semantics = [#tpu.dimension_semantics<arbitrary>], iteration_bounds = array<i64: 10>, scalar_prefetch = 0 : i64, scratch_operands = 0 : i64, tpu.core_type = #tpu.core_type<tc>, window_params = [{transform_indices = @transform_0, window_bounds = array<i64: 1024, 128>}, {pipeline_mode = #tpu.pipeline_mode<synchronous>, transform_indices = @transform_1, window_bounds = array<i64: 128, 128>}, {transform_indices = @transform_2, window_bounds = array<i64: 2, 1024, 1>}, {transform_indices = @transform_3, window_bounds = array<i64: 1024, 128>}, {transform_indices = @transform_4, window_bounds = array<i64: 1024, 1>}]} {
    %get3A = arith.constant 0 : index
    %get3A_0 = arith.constant 0 : index
    %get3A_1 = arith.constant 0 : index
    %get3A_2 = vector.load %arg3[%get3A, %get3A_0, %get3A_1] : memref<2x1024x1xf32, #tpu.memory_space<vmem>>, vector<1x1024x1xf32>
    %get3A_3 = vector.shape_cast %get3A_2 : vector<1x1024x1xf32> to vector<1024x1xf32>
    %get3A_4 = arith.constant 1 : index
    %get3A_5 = arith.constant 0 : index
    %get3A_6 = arith.constant 0 : index
    %get3A_7 = vector.load %arg3[%get3A_4, %get3A_5, %get3A_6] : memref<2x1024x1xf32, #tpu.memory_space<vmem>>, vector<1x1024x1xf32>
    %get3A_8 = vector.shape_cast %get3A_7 : vector<1x1024x1xf32> to vector<1024x1xf32>
    %add3A = arith.addf %get3A_3, %get3A_8 : vector<1024x1xf32>
    %add3A_9 = arith.constant 1.000000e+00 : f32
    %add3A_10 = vector.broadcast %add3A_9 : f32 to vector<1024x1xf32>
    %add3A_11 = arith.addf %add3A, %add3A_10 : vector<1024x1xf32>
    %rsqrt3A = math.rsqrt %add3A_11 : vector<1024x1xf32>
    %get3A_12 = arith.constant 0 : index
    %get3A_13 = arith.constant 0 : index
    %get3A_14 = vector.load %arg1[%get3A_12, %get3A_13] : memref<1024x128xf32, #tpu.memory_space<vmem>>, vector<1024x128xf32>
    %get3A_15 = arith.constant 0 : index
    %get3A_16 = arith.constant 0 : index
    %get3A_17 = vector.load %arg2[%get3A_15, %get3A_16] : memref<128x128xf32, #tpu.memory_space<vmem>>, vector<128x128xf32>
    %dot_general3A = arith.constant dense<0.000000e+00> : vector<1024x128xf32>
    %dot_general3A_18 = tpu.matmul %get3A_14, %get3A_17, %dot_general3A {dimension_numbers = #tpu.dot_dimension_numbers<[1], [0], [0], [1], [0, 0, 1, 1], [], []>, transpose_lhs_hint = false} : vector<1024x128xf32>, vector<128x128xf32>, vector<1024x128xf32> -> vector<1024x128xf32>
    %mul3A = vector.broadcast %rsqrt3A : vector<1024x1xf32> to vector<1024x128xf32>
    %mul3A_19 = arith.mulf %dot_general3A_18, %mul3A : vector<1024x128xf32>
    %swap3A = arith.constant 0 : index
    %swap3A_20 = arith.constant 0 : index
    %swap3A_21 = vector.load %arg4[%swap3A, %swap3A_20] : memref<1024x128xf32, #tpu.memory_space<vmem>>, vector<1024x128xf32>
    tpu.vector_store %arg4[%swap3A, %swap3A_20], %mul3A_19 {strides = array<i32>} : memref<1024x128xf32, #tpu.memory_space<vmem>>, vector<1024x128xf32>,
    %swap3A_22 = arith.constant 0 : index
    %swap3A_23 = arith.constant 0 : index
    %swap3A_24 = vector.load %arg5[%swap3A_22, %swap3A_23] : memref<1024x1xf32, #tpu.memory_space<vmem>>, vector<1024x1xf32>
    tpu.vector_store %arg5[%swap3A_22, %swap3A_23], %rsqrt3A {strides = array<i32>} : memref<1024x1xf32, #tpu.memory_space<vmem>>, vector<1024x1xf32>,
    return
  }
  func.func @transform_0(%arg0: i32) -> (i32, i32) {
    %c0_i32 = arith.constant 0 : i32
    %c0_i32_0 = arith.constant 0 : i32
    return %arg0, %c0_i32 : i32, i32
  }
  func.func @transform_1(%arg0: i32) -> (i32, i32) {
    %c0_i32 = arith.constant 0 : i32
    %c0_i32_0 = arith.constant 0 : i32
    %c0_i32_1 = arith.constant 0 : i32
    return %c0_i32, %c0_i32_0 : i32, i32
  }
  func.func @transform_2(%arg0: i32) -> (i32, i32, i32) {
    %c0_i32 = arith.constant 0 : i32
    %c0_i32_0 = arith.constant 0 : i32
    %c0_i32_1 = arith.constant 0 : i32
    return %c0_i32, %arg0, %c0_i32_0 : i32, i32, i32
  }
  func.func @transform_3(%arg0: i32) -> (i32, i32) {
    %c0_i32 = arith.constant 0 : i32
    %c0_i32_0 = arith.constant 0 : i32
    return %arg0, %c0_i32 : i32, i32
  }
  func.func @transform_4(%arg0: i32) -> (i32, i32) {
    %c0_i32 = arith.constant 0 : i32
    %c0_i32_0 = arith.constant 0 : i32
    return %arg0, %c0_i32 : i32, i32
  }
}

module attributes {stable_mosaic.version = 14 : i64} {
  func.func @_final_body(%arg0: i32, %arg1: memref<1024x128xf32, #tpu.memory_space<vmem>>, %arg2: memref<1024x1xf32, #tpu.memory_space<vmem>>, %arg3: memref<2x1024x128xf32, #tpu.memory_space<vmem>>, %arg4: memref<2x1024x1xf32, #tpu.memory_space<vmem>>, %arg5: memref<1x128xf32, #tpu.memory_space<vmem>>, %arg6: memref<128x128xf32, #tpu.memory_space<vmem>>, %arg7: memref<1x128xf32, #tpu.memory_space<vmem>>, %arg8: memref<1x128xf32, #tpu.memory_space<vmem>>, %arg9: memref<1x128xf32, #tpu.memory_space<vmem>>) attributes {dimension_semantics = [#tpu.dimension_semantics<arbitrary>], iteration_bounds = array<i64: 10>, scalar_prefetch = 0 : i64, scratch_operands = 1 : i64, tpu.core_type = #tpu.core_type<tc>, window_params = [{transform_indices = @transform_0, window_bounds = array<i64: 1024, 128>}, {transform_indices = @transform_1, window_bounds = array<i64: 1024, 1>}, {transform_indices = @transform_2, window_bounds = array<i64: 2, 1024, 128>}, {transform_indices = @transform_3, window_bounds = array<i64: 2, 1024, 1>}, {pipeline_mode = #tpu.pipeline_mode<synchronous>, transform_indices = @transform_4, window_bounds = array<i64: 1, 128>}, {pipeline_mode = #tpu.pipeline_mode<synchronous>, transform_indices = @transform_5, window_bounds = array<i64: 128, 128>}, {pipeline_mode = #tpu.pipeline_mode<synchronous>, transform_indices = @transform_6, window_bounds = array<i64: 1, 128>}, {pipeline_mode = #tpu.pipeline_mode<synchronous>, transform_indices = @transform_7, window_bounds = array<i64: 1, 128>}]} {
    %get3A = arith.constant 0 : index
    %get3A_0 = arith.constant 0 : index
    %get3A_1 = vector.load %arg2[%get3A, %get3A_0] : memref<1024x1xf32, #tpu.memory_space<vmem>>, vector<1024x1xf32>
    %get3A_2 = arith.constant 0 : index
    %get3A_3 = arith.constant 0 : index
    %get3A_4 = arith.constant 0 : index
    %get3A_5 = vector.load %arg3[%get3A_2, %get3A_3, %get3A_4] : memref<2x1024x128xf32, #tpu.memory_space<vmem>>, vector<1x1024x128xf32>
    %get3A_6 = vector.shape_cast %get3A_5 : vector<1x1024x128xf32> to vector<1024x128xf32>
    %get3A_7 = arith.constant 1 : index
    %get3A_8 = arith.constant 0 : index
    %get3A_9 = arith.constant 0 : index
    %get3A_10 = vector.load %arg3[%get3A_7, %get3A_8, %get3A_9] : memref<2x1024x128xf32, #tpu.memory_space<vmem>>, vector<1x1024x128xf32>
    %get3A_11 = vector.shape_cast %get3A_10 : vector<1x1024x128xf32> to vector<1024x128xf32>
    %add3A = arith.addf %get3A_6, %get3A_11 : vector<1024x128xf32>
    %get3A_12 = arith.constant 0 : index
    %get3A_13 = arith.constant 0 : index
    %get3A_14 = vector.load %arg1[%get3A_12, %get3A_13] : memref<1024x128xf32, #tpu.memory_space<vmem>>, vector<1024x128xf32>
    %add3A_15 = arith.addf %add3A, %get3A_14 : vector<1024x128xf32>
    %mul3A = vector.broadcast %get3A_1 : vector<1024x1xf32> to vector<1024x128xf32>
    %mul3A_16 = arith.mulf %mul3A, %add3A_15 : vector<1024x128xf32>
    %get3A_17 = arith.constant 0 : index
    %get3A_18 = arith.constant 0 : index
    %get3A_19 = vector.load %arg5[%get3A_17, %get3A_18] : memref<1x128xf32, #tpu.memory_space<vmem>>, vector<1x128xf32>
    %add3A_20 = vector.broadcast %get3A_19 : vector<1x128xf32> to vector<1024x128xf32>
    %add3A_21 = arith.addf %mul3A_16, %add3A_20 : vector<1024x128xf32>
    %max3A = arith.constant 0.000000e+00 : f32
    %max3A_22 = vector.broadcast %max3A : f32 to vector<1024x128xf32>
    %max3A_23 = arith.maximumf %add3A_21, %max3A_22 : vector<1024x128xf32>
    %get3A_24 = arith.constant 0 : index
    %get3A_25 = arith.constant 0 : index
    %get3A_26 = arith.constant 0 : index
    %get3A_27 = vector.load %arg4[%get3A_24, %get3A_25, %get3A_26] : memref<2x1024x1xf32, #tpu.memory_space<vmem>>, vector<1x1024x1xf32>
    %get3A_28 = vector.shape_cast %get3A_27 : vector<1x1024x1xf32> to vector<1024x1xf32>
    %get3A_29 = arith.constant 1 : index
    %get3A_30 = arith.constant 0 : index
    %get3A_31 = arith.constant 0 : index
    %get3A_32 = vector.load %arg4[%get3A_29, %get3A_30, %get3A_31] : memref<2x1024x1xf32, #tpu.memory_space<vmem>>, vector<1x1024x1xf32>
    %get3A_33 = vector.shape_cast %get3A_32 : vector<1x1024x1xf32> to vector<1024x1xf32>
    %add3A_34 = arith.addf %get3A_28, %get3A_33 : vector<1024x1xf32>
    %add3A_35 = arith.addf %add3A_34, %get3A_1 : vector<1024x1xf32>
    %mul3A_36 = arith.mulf %get3A_1, %add3A_35 : vector<1024x1xf32>
    %mul3A_37 = arith.constant 1024 : i32
    %mul3A_38 = arith.muli %arg0, %mul3A_37 : i32
    %iota3A = tpu.iota {dimensions = array<i32: 0>} : vector<1024x1xi32>
    %add3A_39 = vector.broadcast %mul3A_38 : i32 to vector<1024x1xi32>
    %add3A_40 = arith.addi %add3A_39, %iota3A : vector<1024x1xi32>
    %lt3A = arith.constant 10000 : i32
    %lt3A_41 = vector.broadcast %lt3A : i32 to vector<1024x1xi32>
    %lt3A_42 = arith.cmpi slt, %add3A_40, %lt3A_41 : vector<1024x1xi32>
    %jit3A = arith.constant 0.000000e+00 : f32
    %broadcast_in_dim3A = vector.broadcast %jit3A : f32 to vector<1024x1xf32>
    %select_n3A = arith.select %lt3A_42, %mul3A_36, %broadcast_in_dim3A : vector<1024x1xi1>, vector<1024x1xf32>
    %mul3A_43 = vector.broadcast %select_n3A : vector<1024x1xf32> to vector<1024x128xf32>
    %mul3A_44 = arith.mulf %mul3A_43, %max3A_23 : vector<1024x128xf32>
    %reduce_sum3A = arith.constant dense<0.000000e+00> : vector<128xf32>
    %reduce_sum3A_45 = vector.multi_reduction <add>, %mul3A_44, %reduce_sum3A [0] : vector<1024x128xf32> to vector<128xf32>
    %broadcast_in_dim3A_46 = vector.shape_cast %reduce_sum3A_45 : vector<128xf32> to vector<1x128xf32>
    %eq3A = arith.constant 0 : i32
    %eq3A_47 = arith.cmpi eq, %arg0, %eq3A : i32
    %convert_element_type3A = arith.extui %eq3A_47 : i1 to i32
    %cond3A = arith.constant 0 : i32
    %cond3A_48 = arith.cmpi ne, %convert_element_type3A, %cond3A : i32
    scf.if %cond3A_48 {
      %broadcast_in_dim3A_60 = arith.constant 0.000000e+00 : f32
      %broadcast_in_dim3A_61 = vector.broadcast %broadcast_in_dim3A_60 : f32 to vector<1x128xf32>
      %swap3A_62 = arith.constant 0 : index
      %swap3A_63 = arith.constant 0 : index
      %swap3A_64 = vector.load %arg9[%swap3A_62, %swap3A_63] : memref<1x128xf32, #tpu.memory_space<vmem>>, vector<1x128xf32>
      tpu.vector_store %arg9[%swap3A_62, %swap3A_63], %broadcast_in_dim3A_61 {strides = array<i32>} : memref<1x128xf32, #tpu.memory_space<vmem>>, vector<1x128xf32>,
    } else {
    }
    %get3A_49 = arith.constant 0 : index
    %get3A_50 = arith.constant 0 : index
    %get3A_51 = vector.load %arg9[%get3A_49, %get3A_50] : memref<1x128xf32, #tpu.memory_space<vmem>>, vector<1x128xf32>
    %add3A_52 = arith.addf %get3A_51, %broadcast_in_dim3A_46 : vector<1x128xf32>
    %swap3A = arith.constant 0 : index
    %swap3A_53 = arith.constant 0 : index
    %swap3A_54 = vector.load %arg9[%swap3A, %swap3A_53] : memref<1x128xf32, #tpu.memory_space<vmem>>, vector<1x128xf32>
    tpu.vector_store %arg9[%swap3A, %swap3A_53], %add3A_52 {strides = array<i32>} : memref<1x128xf32, #tpu.memory_space<vmem>>, vector<1x128xf32>,
    %eq3A_55 = arith.constant 9 : i32
    %eq3A_56 = arith.cmpi eq, %arg0, %eq3A_55 : i32
    %convert_element_type3A_57 = arith.extui %eq3A_56 : i1 to i32
    %cond3A_58 = arith.constant 0 : i32
    %cond3A_59 = arith.cmpi ne, %convert_element_type3A_57, %cond3A_58 : i32
    scf.if %cond3A_59 {
      %get3A_60 = arith.constant 0 : index
      %get3A_61 = arith.constant 0 : index
      %get3A_62 = vector.load %arg9[%get3A_60, %get3A_61] : memref<1x128xf32, #tpu.memory_space<vmem>>, vector<1x128xf32>
      %mul3A_63 = arith.constant 9.99999974E-5 : f32
      %mul3A_64 = vector.broadcast %mul3A_63 : f32 to vector<1x128xf32>
      %mul3A_65 = arith.mulf %get3A_62, %mul3A_64 : vector<1x128xf32>
      %get3A_66 = arith.constant 0 : index
      %get3A_67 = arith.constant 0 : index
      %get3A_68 = vector.load %arg6[%get3A_66, %get3A_67] : memref<128x128xf32, #tpu.memory_space<vmem>>, vector<128x128xf32>
      %dot_general3A = arith.constant dense<0.000000e+00> : vector<1x128xf32>
      %dot_general3A_69 = tpu.matmul %mul3A_65, %get3A_68, %dot_general3A {dimension_numbers = #tpu.dot_dimension_numbers<[1], [0], [0], [1], [0, 0, 1, 1], [], []>, transpose_lhs_hint = false} : vector<1x128xf32>, vector<128x128xf32>, vector<1x128xf32> -> vector<1x128xf32>
      %get3A_70 = arith.constant 0 : index
      %get3A_71 = arith.constant 0 : index
      %get3A_72 = vector.load %arg7[%get3A_70, %get3A_71] : memref<1x128xf32, #tpu.memory_space<vmem>>, vector<1x128xf32>
      %add3A_73 = arith.addf %dot_general3A_69, %get3A_72 : vector<1x128xf32>
      %swap3A_74 = arith.constant 0 : index
      %swap3A_75 = arith.constant 0 : index
      %swap3A_76 = vector.load %arg8[%swap3A_74, %swap3A_75] : memref<1x128xf32, #tpu.memory_space<vmem>>, vector<1x128xf32>
      tpu.vector_store %arg8[%swap3A_74, %swap3A_75], %add3A_73 {strides = array<i32>} : memref<1x128xf32, #tpu.memory_space<vmem>>, vector<1x128xf32>,
    } else {
    }
    return
  }
  func.func @transform_0(%arg0: i32) -> (i32, i32) {
    %c0_i32 = arith.constant 0 : i32
    %c0_i32_0 = arith.constant 0 : i32
    return %arg0, %c0_i32 : i32, i32
  }
  func.func @transform_1(%arg0: i32) -> (i32, i32) {
    %c0_i32 = arith.constant 0 : i32
    %c0_i32_0 = arith.constant 0 : i32
    return %arg0, %c0_i32 : i32, i32
  }
  func.func @transform_2(%arg0: i32) -> (i32, i32, i32) {
    %c0_i32 = arith.constant 0 : i32
    %c0_i32_0 = arith.constant 0 : i32
    %c0_i32_1 = arith.constant 0 : i32
    return %c0_i32, %arg0, %c0_i32_0 : i32, i32, i32
  }
  func.func @transform_3(%arg0: i32) -> (i32, i32, i32) {
    %c0_i32 = arith.constant 0 : i32
    %c0_i32_0 = arith.constant 0 : i32
    %c0_i32_1 = arith.constant 0 : i32
    return %c0_i32, %arg0, %c0_i32_0 : i32, i32, i32
  }
  func.func @transform_4(%arg0: i32) -> (i32, i32) {
    %c0_i32 = arith.constant 0 : i32
    %c0_i32_0 = arith.constant 0 : i32
    %c0_i32_1 = arith.constant 0 : i32
    return %c0_i32, %c0_i32_0 : i32, i32
  }
  func.func @transform_5(%arg0: i32) -> (i32, i32) {
    %c0_i32 = arith.constant 0 : i32
    %c0_i32_0 = arith.constant 0 : i32
    %c0_i32_1 = arith.constant 0 : i32
    return %c0_i32, %c0_i32_0 : i32, i32
  }
  func.func @transform_6(%arg0: i32) -> (i32, i32) {
    %c0_i32 = arith.constant 0 : i32
    %c0_i32_0 = arith.constant 0 : i32
    %c0_i32_1 = arith.constant 0 : i32
    return %c0_i32, %c0_i32_0 : i32, i32
  }
  func.func @transform_7(%arg0: i32) -> (i32, i32) {
    %c0_i32 = arith.constant 0 : i32
    %c0_i32_0 = arith.constant 0 : i32
    %c0_i32_1 = arith.constant 0 : i32
    return %c0_i32, %c0_i32_0 : i32, i32
  }
}

</mosaic_0001>

<sc_bundles>
// kernel: kernel.6.cloned.1.call-start
scs
__scs_entry_jumppad:
0x0: {  	(pc) =	sbr.rel $0x88, $3  }
0x1: {  	(tag) =	ssettag $0x0;
	lr =	simm.s32 $0x1  }
0x2: {  	[smem:$0x3F9B] =	sst lr;
	_ =	strace $0xD0000000  }
0x3: {  	_ = 	snop  }
0x4: {  	_ = 	snop  }
0x5: {  	_ = 	snop  }
0x6: {  	_ = 	snop  }
0x7: {  	_ = 	snop  }
__scs_overlays_trampoline_lowered:
0x8: {  	[smem:$0x3FAA] =	sst s0  }
0x9: {  	[smem:$0x3FAB] =	sst s1  }
0xa: {  	[smem:$0x3FAC] =	sst s2  }
0xb: {  	[smem:$0x3FAD] =	sst s3  }
0xc: {  	[smem:$0x3FAE] =	sst s4  }
0xd: {  	[smem:$0x3FAF] =	sst s5  }
0xe: {  	[smem:$0x3FB0] =	sst s6  }
0xf: {  	[smem:$0x3FB1] =	sst s7  }
0x10: {  	[smem:$0x3FB2] =	sst s8  }
0x11: {  	[smem:$0x3FB3] =	sst s9;
	s0 =	simm.s32 @!p0 $0x0  }
0x12: {  	s1 =	sld [smem:$0x3F99];
	s0 =	simm.s32 @p0 $0x1  }
0x13: {  	[smem:$0x3FB4] =	sst s0;
	s0 =	simm.s32 @!p1 $0x0  }
0x14: {  	s2 =	sld [smem:$0x3F98];
	s0 =	simm.s32 @p1 $0x1  }
0x15: {  	[smem:$0x3FB5] =	sst s0;
	s0 =	simm.s32 @!p2 $0x0  }
0x16: {  	s3 =	sld [smem:$0x3FDB];
	s0 =	simm.s32 @p2 $0x1  }
0x17: {  	s4 =	simm.s32 $0x1BF5;
	[smem:$0x3FB7] =	sst s0  }
0x18: {  	s0 =	sld [smem:$0x3F9A];
	_ =	swait.ge [sflag:s4], $0x0  }
0x19: {  	s7 =	sld [smem:$0x3F9B]  }
0x1a: {  	s8 =	sadd.s32 $0xFFFFE003, lr  }
0x1b: {  	s9 =	sadd.s32 $0xFFFFFEF7, lr;
	s5 =	simm.s32 $0xFFFFFFFF;
	p2 =	slt.u32 s8, $0xFFFFF086  }
0x1c: {  	p1 =	slt.u32 s9, $0xF7A;
	s5 =	simm.s32 @!p2 $0x0  }
0x1d: {  	s5 =	simm.s32 @p1 $0x1;
	p0 =	seq.s32 s7, s2  }
0x1e: {  	s7 =	smul.u32 @!p0 $0xF7A, s2;
	p2 =	seq.s32 @!p0 s5, $0x0  }
0x1f: {  	s9 =	smul.u32 $0xF7A, s1;
	s8 =	simm.s32 @!p0 $0x1BF5;
	p2 =	por !p2, p0  }
0x20: {  	[sflag:s8] =	ssyncset.s32 @!p0 $0xFFFFF086;
	s6 =	sadd.s32 @!p0 s3, s7;
	s7 =	simm.s32 @!p0 $0x108  }
0x21: {  	s3 =	sadd.s32 s3, s9;
	s6 =	sadd.s32 @!p0 $0x88, s6;
	s7 =	simm.s32 @p2 $0x1082  }
0x22: {  	[simem:s7], [sflag:s8] =	dma.local @!p0 [hbm:s6], $0xF7A  }
0x23: {  	s9 =	sor.u32 $0xD0000000, s2;
	s6 =	simm.s32 $0x108;
	_ =	swait.ge @!p0 [sflag:s8], $0x0  }
0x24: {  	s3 =	sadd.s32 $0x88, s3;
	s6 =	simm.s32 @!p1 $0x1082;
	[sflag:s4] =	ssyncset.s32 $0xFFFFF086  }
0x25: {  	[simem:s6], [sflag:s4] =	dma.local [hbm:s3], $0xF7A  }
0x26: {  	[smem:$0x3F9B] =	sst s1;
	(tag) =	ssettag s2;
	_ =	strace s9  }
0x27: {  	s1 =	sld [smem:$0x3FAB]  }
0x28: {  	s2 =	sld [smem:$0x3FAC]  }
0x29: {  	s4 =	sld [smem:$0x3FAE]  }
0x2a: {  	p0 =	seq.s32 s5, $0x0;
	s5 =	sld [smem:$0x3FAF]  }
0x2b: {  	s6 =	sld [smem:$0x3FB0]  }
0x2c: {  	s7 =	sld [smem:$0x3FB1]  }
0x2d: {  	s3 =	simm.s32 $0x108;
	s8 =	sld [smem:$0x3FB2]  }
0x2e: {  	s3 =	simm.s32 @!p0 $0x1082;
	s9 =	sld [smem:$0x3FB3]  }
0x2f: {  	lr =	sadd.s32 s0, s3;
	s0 =	sld [smem:$0x3FAA]  }
0x30: {  	s3 =	sld [smem:$0x3FAD]  }
0x31: {  	[smem:$0x3FB6] =	sst s10  }
0x32: {  	s10 =	sld [smem:$0x3FB4];
	_ =	sdelay $0x3  }
0x33: {  	p0 =	seq.s32 s10, $0x1;
	s10 =	sld [smem:$0x3FB6];
	_ =	sdelay $0x3  }
0x34: {  	[smem:$0x3FB6] =	sst s10  }
0x35: {  	s10 =	sld [smem:$0x3FB5];
	_ =	sdelay $0x3  }
0x36: {  	p1 =	seq.s32 s10, $0x1;
	s10 =	sld [smem:$0x3FB6];
	_ =	sdelay $0x3  }
0x37: {  	[smem:$0x3FB6] =	sst s10  }
0x38: {  	s10 =	sld [smem:$0x3FB7]  }
0x39: {  	_ = 	snop;
	(pc) =	sbr.ind lr, $3  }
0x3a: {  	_ = 	snop  }
0x3b: {  	_ = 	snop  }
0x3c: {  	p2 =	seq.s32 s10, $0x1;
	s10 =	sld [smem:$0x3FB6]  }
0x3d: {  	_ =	shalt  }
0x3e: {  	_ =	shalt  }
0x3f: {  	_ =	shalt  }
0x40: {  	_ =	shalt  }
0x41: {  	_ =	shalt  }
0x42: {  	_ =	shalt  }
0x43: {  	_ =	shalt  }
0x44: {  	_ =	shalt  }
0x45: {  	_ =	shalt  }
0x46: {  	_ =	shalt  }
0x47: {  	_ =	shalt  }
0x48: {  	_ =	shalt  }
0x49: {  	_ =	shalt  }
0x4a: {  	_ =	shalt  }
0x4b: {  	_ =	shalt  }
0x4c: {  	_ =	shalt  }
0x4d: {  	_ =	shalt  }
0x4e: {  	_ =	shalt  }
0x4f: {  	_ =	shalt  }
0x50: {  	_ =	shalt  }
0x51: {  	_ =	shalt  }
0x52: {  	_ =	shalt  }
0x53: {  	_ =	shalt  }
0x54: {  	_ =	shalt  }
0x55: {  	_ =	shalt  }
0x56: {  	_ =	shalt  }
0x57: {  	_ =	shalt  }
0x58: {  	_ =	shalt  }
0x59: {  	_ =	shalt  }
0x5a: {  	_ =	shalt  }
0x5b: {  	_ =	shalt  }
0x5c: {  	_ =	shalt  }
0x5d: {  	_ =	shalt  }
0x5e: {  	_ =	shalt  }
0x5f: {  	_ =	shalt  }
0x60: {  	_ =	shalt  }
0x61: {  	_ =	shalt  }
0x62: {  	_ =	shalt  }
0x63: {  	_ =	shalt  }
0x64: {  	_ =	shalt  }
0x65: {  	_ =	shalt  }
0x66: {  	_ =	shalt  }
0x67: {  	_ =	shalt  }
0x68: {  	_ =	shalt  }
0x69: {  	_ =	shalt  }
0x6a: {  	_ =	shalt  }
0x6b: {  	_ =	shalt  }
0x6c: {  	_ =	shalt  }
0x6d: {  	_ =	shalt  }
0x6e: {  	_ =	shalt  }
0x6f: {  	_ =	shalt  }
0x70: {  	_ =	shalt  }
0x71: {  	_ =	shalt  }
0x72: {  	_ =	shalt  }
0x73: {  	_ =	shalt  }
0x74: {  	_ =	shalt  }
0x75: {  	_ =	shalt  }
0x76: {  	_ =	shalt  }
0x77: {  	_ =	shalt  }
0x78: {  	_ =	shalt  }
0x79: {  	_ =	shalt  }
0x7a: {  	_ =	shalt  }
0x7b: {  	_ =	shalt  }
0x7c: {  	_ =	shalt  }
0x7d: {  	_ =	shalt  }
0x7e: {  	_ =	shalt  }
0x7f: {  	_ =	shalt  }
0x80: {  	_ =	shalt  }
0x81: {  	_ =	shalt  }
0x82: {  	_ =	shalt  }
0x83: {  	_ =	shalt  }
0x84: {  	_ =	shalt  }
0x85: {  	_ =	shalt  }
0x86: {  	_ =	shalt  }
0x87: {  	_ =	shalt  }
.Lfunc_end0:
.L_simem_size_0:
called_computation_lowered:
.L_overlay_start_0:
0x88: {  	s2 =	sld [smem:$0x3FD9]  }
0x89: {  	s3 =	sld [smem:$0x3FFE];
	_ =	sdelay $0x1  }
0x8a: {  	s1 =	srdreg.scid  }
0x8b: {  	s0 =	sand.u32 $0x1, s1  }
0x8c: {  	s16 =	sshll.u32 s0, $0xA;
	s2 =	sadd.s32 s3, s2  }
0x8d: {  	s2 =	sadd.s32 s2, s16  }
0x8e: {  	[smem:$0x3FC2] =	sst s2  }
0x8f: {  	_ = 	snop  }
0x90: {  	(tm) =	ssettm $0x1  }
0x91: {  	s17 =	sld [smem:$0x3FFB];
	_ =	sdelay $0x3  }
0x92: {  	_ =	strace s17  }
0x93: {  	s2 =	sld [smem:$0x3FFC];
	_ =	sdelay $0x3  }
0x94: {  	_ =	strace s2  }
0x95: {  	s2 =	sld [smem:$0x3FFD];
	_ =	sdelay $0x3  }
0x96: {  	_ =	strace s2  }
0x97: {  	_ =	strace $0x8FFFFFFF  }
0x98: {  	s18 =	sld [smem:$0x3FDB];
	_ =	sdelay $0x1  }
0x99: {  	s19 =	simm.s32 $_scs_section_size  }
0x9a: {  	s4 =	simm.s32 $_size__tile_overlayer_lowered;
	s5 =	simm.s32 $_tile_overlayer_lowered  }
0x9b: {  	s22 =	simm.s32 $0x1BFF;
	s21 =	sshll.u32 s5, $0x1;
	s2 =	sadd.s32 s19, s18  }
0x9c: {  	s6 =	simm.s32 $0x0;
	s20 =	sshll.u32 s4, $0x1;
	s4 =	sadd.s32 s21, s2  }
0x9d: {  	[timem:s6], [sflag:s22] =	dma.local [hbm:s4], s20  }
0x9e: {  	_ =	swait.ge [sflag:s22], s20  }
0x9f: {  	s3 =	ssub.s32 $0x0, s20;
	[sflag:s22] =	ssyncset.done $0x0  }
0xa0: {  	[sflag:s22] =	ssyncadd.s32 s3;
	_ =	sdelay $0x1  }
0xa1: {  	s23 =	simm.s32 $0x1B8B  }
0xa2: {  	_ =	swait.ge [sflag:s23], $0x1  }
0xa3: {  	[sflag:s23] =	ssyncset.done $0x0  }
0xa4: {  	s25 =	simm.s32 $0x1B8E;
	s24 =	sld [smem:$0x3FFE];
	[sflag:s23] =	ssyncadd.s32 $0xFFFFFFFF  }
0xa5: {  	s26 =	simm.s32 $execute0_lowered;
	[smem:$0x3FD2] =	sst s25  }
0xa6: {  	s4 =	sshll.u32 s26, $0x1;
	_ =	strace $0x80000046;
	[dreg:$0x1] =	wrdreg $0xFFFFFFFF  }
0xa7: {  	s28 =	simm.s32 $_size_execute0_lowered;
	s2 =	sadd.s32 s2, s4;
	[dreg:$0x0] =	wrdreg $0x0  }
0xa8: {  	s4 =	sshll.u32 s28, $0x1;
	[dreg:$0x2] =	wrdreg s2  }
0xa9: {  	[dreg:$0x3] =	wrdreg s4  }
0xaa: {  	[dreg:$0x4] =	wrdreg $0xC0  }
0xab: {  	_ =	task [dreg:s6], $0x5FFFF  }
0xac: {  	[dreg:$0x1] =	wrdreg $0xFFFFFFFF  }
0xad: {  	[dreg:$0x0] =	wrdreg $0x60  }
0xae: {  	[dreg:$0x2] =	wrdreg s24  }
0xaf: {  	[dreg:$0x3] =	wrdreg $0x2B000  }
0xb0: {  	[dreg:$0x4] =	wrdreg $0x9  }
0xb1: {  	_ =	task.clear_ibuf [dreg:s6], $0x5FFFF;
	_ =	strace $0x90000046  }
0xb2: {  	s29 =	simm.s32 $0x9;
	_ =	strace $0x80000048  }
0xb3: {  	_ =	swait.ge [sflag:s29], $0x1  }
0xb4: {  	[sflag:s29] =	ssyncadd.s32 $0xFFFFFFFF  }
0xb5: {  	_ =	strace $0x90000048  }
0xb6: {  	_ =	sfence  }
0xb7: {  	s30 =	sld [smem:$0x0];
	_ =	sdelay $0x2  }
0xb8: {  	s31 =	sshll.u32 s1, $0xD;
	s1 =	sshrl.u32 s1, $0x2  }
0xb9: {  	s3 =	sand.u32 $0x4000, s31;
	s1 =	sadd.s32 s1, s30  }
0xba: {  	s0 =	sor.u32 s3, s0;
	s1 =	sshll.u32 s1, $0x11  }
0xbb: {  	s0 =	sor.u32 s1, s0  }
0xbc: {  	s0 =	sadd.s32 $0x8F2B, s0  }
0xbd: {  	[sflag:s0] =	ssyncadd.remote.s32 $0x1  }
0xbe: {  	_ =	sfence.sel $0xFFFF  }
0xbf: {  	[dreg:$0x0] =	wrdreg $0xFFFFFFFF;
	(pc) =	sbr.abs _section_cstart, $3  }
0xc0: {  	[dreg:$0x1] =	wrdreg $0xFFFFFFFF  }
0xc1: {  	_ =	task.clear_ibuf [dreg:s6], $0x2FFFF;
	_ =	strace $0x9FFFFFFF  }
0xc2: {  	(tm) =	ssettm $0x7FFFFFFF  }
0xc3: {  	_ =	shalt  }
tec
execute0_lowered:
.L_overlay_start_1:
0x0: {  	(tag) =	ssettag $0x1  }
0x1: {  	s4 =	rddreg [dreg:$0x0]  }
0x2: {  	s1 =	rddreg [dreg:$0x1]  }
0x3: {  	s2 =	srdreg.scid;
	s0 =	rddreg [dreg:$0x2];
	s3 =	simm.s32 $0x0  }
0x4: {  	s10 =	simm.s32 $0x80;
	s11 =	simm.s32 $0x2800;
	s12 =	simm.s32 $0x1  }
0x5: {  	s15 =	simm.s32 $0x20;
	s16 =	simm.s32 $0x10;
	s17 =	simm.s32 $0x0  }
0x6: {  	s5 =	sand.u32 $0x1, s2;
	s2 =	stileid.u32;
	[smem:$0x7FF] =	sst s3  }
0x7: {  	s6 =	sshll.u32 s5, $0x4;
	s7 =	smul.u32 $0x500, s2;
	_ =	strace $0x80000047  }
0x8: {  	s8 =	sshll.u32 s5, $0x7;
	s5 =	ssub.s32 $0x2, s5;
	s30 =	smul.u32 $0xA00, s2  }
0x9: {  	s13 =	sshll.u32 s2, $0x6;
	s6 =	sor.u32 s2, s6;
	s9 =	sshrl.u32 s5, $0x1  }
0xa: {  	s13 =	sor.u32 $0x1C02, s13;
	s6 =	smul.u32 $0x500, s6;
	s7 =	sor.u32 s8, s7  }
0xb: {  	s9 =	ssub.s32 s5, s9;
	s31 =	sshrl.u32 s30, $0x2;
	s8 =	simm.s32 $0x2  }
0xc: {  	s7 =	sshrl.u32 s7, $0x3;
	s5 =	sadd.s32 s31, s1;
	s6 =	sadd.s32 s6, s4  }
0xd: {  	s7 =	sadd.s32 s7, s4;
	s14 =	sshrl.u32 s5, $0x3;
	s4 =	sadd.s32 $0xBE00, s6  }
0xe: {  	v0 =	vimm.f32 $1.000000000e+00;
	v1 =	vimm.f32 $0.0e+00;
	s6 =	sadd.s32 $0x15E00, s7;
	s7 =	smax.u32 s9, $0x1;
	s9 =	simm.s32 $0x2880  }
.LBB2_1:
0xf: {  	[tilespmem:s3], [sflag:$0x2] =	stream.linear.gather [hbm4b:s4+s3], $0x2800, $0x38;
	[tilespmem:$0x2D80] =	vst v63  }
0x10: {  	_ =	swait.ge [sflag:s8], $0x2800  }
0x11: {  	[sflag:s8] =	ssyncset.done $0x0  }
0x12: {  	[sflag:s8] =	ssyncadd.s32 $0xFFFFD800  }
0x13: {  	[tilespmem:$0x2800] =	vst v0  }
0x14: {  	[tilespmem:$0x2810] =	vst v0  }
0x15: {  	[tilespmem:$0x2820] =	vst v0  }
0x16: {  	[tilespmem:$0x2830] =	vst v0  }
0x17: {  	[tilespmem:$0x2840] =	vst v0  }
0x18: {  	[tilespmem:$0x2850] =	vst v0  }
0x19: {  	[tilespmem:$0x2860] =	vst v0  }
0x1a: {  	[tilespmem:$0x2870] =	vst v0  }
0x1b: {  	[tilespmem:$0x2880] =	vst v1  }
0x1c: {  	[tilespmem:$0x2890] =	vst v1  }
0x1d: {  	[tilespmem:$0x28A0] =	vst v1  }
0x1e: {  	[tilespmem:$0x28B0] =	vst v1  }
0x1f: {  	[tilespmem:$0x28C0] =	vst v1  }
0x20: {  	[tilespmem:$0x28D0] =	vst v1  }
0x21: {  	[tilespmem:$0x28E0] =	vst v1  }
0x22: {  	[tilespmem:$0x28F0] =	vst v1  }
0x23: {  	[tilespmem:$0x2900] =	vst v1  }
0x24: {  	[tilespmem:$0x2910] =	vst v1  }
0x25: {  	[tilespmem:$0x2920] =	vst v1  }
0x26: {  	[tilespmem:$0x2930] =	vst v1  }
0x27: {  	[tilespmem:$0x2940] =	vst v1  }
0x28: {  	[tilespmem:$0x2950] =	vst v1  }
0x29: {  	[tilespmem:$0x2960] =	vst v1  }
0x2a: {  	[tilespmem:$0x2970] =	vst v1  }
0x2b: {  	[tilespmem:$0x2980] =	vst v1  }
0x2c: {  	[tilespmem:$0x2990] =	vst v1  }
0x2d: {  	[tilespmem:$0x29A0] =	vst v1  }
0x2e: {  	[tilespmem:$0x29B0] =	vst v1  }
0x2f: {  	[tilespmem:$0x29C0] =	vst v1  }
0x30: {  	[tilespmem:$0x29D0] =	vst v1  }
0x31: {  	[tilespmem:$0x29E0] =	vst v1  }
0x32: {  	[tilespmem:$0x29F0] =	vst v1  }
0x33: {  	[tilespmem:$0x2A00] =	vst v1  }
0x34: {  	[tilespmem:$0x2A10] =	vst v1  }
0x35: {  	[tilespmem:$0x2A20] =	vst v1  }
0x36: {  	[tilespmem:$0x2A30] =	vst v1  }
0x37: {  	[tilespmem:$0x2A40] =	vst v1  }
0x38: {  	[tilespmem:$0x2A50] =	vst v1  }
0x39: {  	[tilespmem:$0x2A60] =	vst v1  }
0x3a: {  	[tilespmem:$0x2A70] =	vst v1  }
0x3b: {  	[tilespmem:$0x2A80] =	vst v1  }
0x3c: {  	[tilespmem:$0x2A90] =	vst v1  }
0x3d: {  	[tilespmem:$0x2AA0] =	vst v1  }
0x3e: {  	[tilespmem:$0x2AB0] =	vst v1  }
0x3f: {  	[tilespmem:$0x2AC0] =	vst v1  }
0x40: {  	[tilespmem:$0x2AD0] =	vst v1  }
0x41: {  	[tilespmem:$0x2AE0] =	vst v1  }
0x42: {  	[tilespmem:$0x2AF0] =	vst v1  }
0x43: {  	[spmem:s5] =	stream.linear.scatter [tilespmem:s9], [sflag:$0x2], $0x280, $0x38;
	[tilespmem:$0x2D80] =	vst v63  }
0x44: {  	_ =	swait.ge [sflag:s8], $0x280  }
0x45: {  	[sflag:s8] =	ssyncset.done $0x0  }
0x46: {  	[sflag:s8] =	ssyncadd.s32 $0xFFFFFD80  }
0x47: {  	s18 =	simm.s32 $0x0;
	[bflag:$0x0] =	sbarrier.arrive $0xFFFF  }
.LBB2_2:
0x48: {  	p0 =	sne.s32 s18, $0x9E00  }
.Ltmp0:
0x49: {  	_ = 	snop;
	(pc) =	sbr.rel @p0 .LBB2_2-.Ltmp0, $3  }
0x4a: {  	_ =	sdelay $0x1  }
0x4b: {  	s19 =	sshra.s32 s18, $0x2;
	s18 =	sadd.s32 $0x200, s18  }
0x4c: {  	[spmem:s1] =	stream.indirect.scatter.add.f32 [tilespmem:s11], [sflag:$0x1], $0x1, s19, s10, $0xb8;
	[tilespmem:$0x2D80] =	vst v63  }
0x4d: {  	_ =	swait.ge [sflag:s12], $0x80  }
0x4e: {  	s18 =	simm.s32 $0x4F;
	[sflag:s12] =	ssyncset.done $0x0  }
.LBB2_4:
0x4f: {  	p0 =	sne.s32 s18, $0x1;
	s18 =	sadd.s32 $0xFFFFFFFF, s18;
	[sflag:s12] =	ssyncadd.s32 $0xFFFFFF80  }
.Ltmp1:
0x50: {  	(pc) =	sbr.rel @p0 .LBB2_4-.Ltmp1, $3  }
0x51: {  	_ =	sdelay $0x1  }
0x52: {  	_ =	swait.ge [sflag:s12], $0x80  }
0x53: {  	[sflag:s12] =	ssyncset.done $0x0  }
0x54: {  	s17 =	sadd.s32 $0x1, s17  }
0x55: {  	[sflag:s12] =	ssyncadd.s32 $0xFFFFFF80;
	p0 =	sne.s32 s17, s7  }
.Ltmp2:
0x56: {  	[bflag:$0x0] =	sbarrier.arrive $0xFFFF;
	(pc) =	sbr.rel @p0 .LBB2_1-.Ltmp2, $4  }
0x57: {  	[hbm:s6@s15], [sflag:s13] =	dma.strided [spmem:s14@s16], $0x50, s12, $0x10   }
0x58: {  	_ =	swait.ge [sflag:s8], $0x50  }
0x59: {  	[sflag:s8] =	ssyncset.done $0x0  }
0x5a: {  	[sflag:s8] =	ssyncadd.s32 $0xFFFFFFB0  }
0x5b: {  	_ =	sfence.sel $0x180000  }
0x5c: {  	[bflag:$0x0] =	sbarrier.arrive $0xFFFF  }
0x5d: {  	p0 =	sne.s32 s2, $0x0;
	_ =	strace $0x90000047  }
0x5e: {  	s0 =	sadd.s32 @!p0 $0x100000, s0;
	[bflag:$0x2] =	sbarrier.arrive $0xFFFF  }
0x5f: {  	[sflag:s0] =	ssyncadd.tile.s32 @!p0 $0x1;
	_ =	shalt  }
.Lfunc_end2:
_tile_overlayer_lowered:
.L_overlay_start_2:
0x60: {  	(tag) =	ssettag $0x2  }
0x61: {  	s0 =	rddreg [dreg:$0x0];
	s2 =	stileid.u32  }
0x62: {  	s1 =	rddreg [dreg:$0x1];
	p0 =	sne.s32 s2, $0x0  }
0x63: {  	s3 =	rddreg [dreg:$0x2];
	[bflag:$0x3] =	sbarrier.arrive $0xFFFF;
	s2 =	simm.s32 @!p0 $0x1C02  }
0x64: {  	[timem:s3], [sflag:s2] =	dma.local @!p0 [hbm:s0], s1  }
0x65: {  	s0 =	simm.s32 @!p0 $0x2  }
0x66: {  	_ =	swait.ge @!p0 [sflag:s0], s1  }
0x67: {  	s1 =	ssub.s32 @!p0 $0x0, s1;
	[sflag:s0] =	ssyncset.done @!p0 $0x0  }
0x68: {  	[sflag:s0] =	ssyncadd.s32 @!p0 s1  }
0x69: {  	[bflag:$0x3] =	sbarrier.arrive $0xFFFF  }
0x6a: {  	_ =	shalt  }

// kernel: kernel.9.cloned.1.call-start
scs
__scs_entry_jumppad:
0x0: {  	(pc) =	sbr.rel $0x88, $3  }
0x1: {  	(tag) =	ssettag $0x0;
	lr =	simm.s32 $0x1  }
0x2: {  	[smem:$0x3F9B] =	sst lr;
	_ =	strace $0xD0000000  }
0x3: {  	_ = 	snop  }
0x4: {  	_ = 	snop  }
0x5: {  	_ = 	snop  }
0x6: {  	_ = 	snop  }
0x7: {  	_ = 	snop  }
__scs_overlays_trampoline_lowered:
0x8: {  	[smem:$0x3FAA] =	sst s0  }
0x9: {  	[smem:$0x3FAB] =	sst s1  }
0xa: {  	[smem:$0x3FAC] =	sst s2  }
0xb: {  	[smem:$0x3FAD] =	sst s3  }
0xc: {  	[smem:$0x3FAE] =	sst s4  }
0xd: {  	[smem:$0x3FAF] =	sst s5  }
0xe: {  	[smem:$0x3FB0] =	sst s6  }
0xf: {  	[smem:$0x3FB1] =	sst s7  }
0x10: {  	[smem:$0x3FB2] =	sst s8  }
0x11: {  	[smem:$0x3FB3] =	sst s9;
	s0 =	simm.s32 @!p0 $0x0  }
0x12: {  	s1 =	sld [smem:$0x3F99];
	s0 =	simm.s32 @p0 $0x1  }
0x13: {  	[smem:$0x3FB4] =	sst s0;
	s0 =	simm.s32 @!p1 $0x0  }
0x14: {  	s2 =	sld [smem:$0x3F98];
	s0 =	simm.s32 @p1 $0x1  }
0x15: {  	[smem:$0x3FB5] =	sst s0;
	s0 =	simm.s32 @!p2 $0x0  }
0x16: {  	s3 =	sld [smem:$0x3FDB];
	s0 =	simm.s32 @p2 $0x1  }
0x17: {  	s4 =	simm.s32 $0x1BF5;
	[smem:$0x3FB7] =	sst s0  }
0x18: {  	s0 =	sld [smem:$0x3F9A];
	_ =	swait.ge [sflag:s4], $0x0  }
0x19: {  	s7 =	sld [smem:$0x3F9B]  }
0x1a: {  	s8 =	sadd.s32 $0xFFFFE003, lr  }
0x1b: {  	s9 =	sadd.s32 $0xFFFFFEF7, lr;
	s5 =	simm.s32 $0xFFFFFFFF;
	p2 =	slt.u32 s8, $0xFFFFF086  }
0x1c: {  	p1 =	slt.u32 s9, $0xF7A;
	s5 =	simm.s32 @!p2 $0x0  }
0x1d: {  	s5 =	simm.s32 @p1 $0x1;
	p0 =	seq.s32 s7, s2  }
0x1e: {  	s7 =	smul.u32 @!p0 $0xF7A, s2;
	p2 =	seq.s32 @!p0 s5, $0x0  }
0x1f: {  	s9 =	smul.u32 $0xF7A, s1;
	s8 =	simm.s32 @!p0 $0x1BF5;
	p2 =	por !p2, p0  }
0x20: {  	[sflag:s8] =	ssyncset.s32 @!p0 $0xFFFFF086;
	s6 =	sadd.s32 @!p0 s3, s7;
	s7 =	simm.s32 @!p0 $0x108  }
0x21: {  	s3 =	sadd.s32 s3, s9;
	s6 =	sadd.s32 @!p0 $0x88, s6;
	s7 =	simm.s32 @p2 $0x1082  }
0x22: {  	[simem:s7], [sflag:s8] =	dma.local @!p0 [hbm:s6], $0xF7A  }
0x23: {  	s9 =	sor.u32 $0xD0000000, s2;
	s6 =	simm.s32 $0x108;
	_ =	swait.ge @!p0 [sflag:s8], $0x0  }
0x24: {  	s3 =	sadd.s32 $0x88, s3;
	s6 =	simm.s32 @!p1 $0x1082;
	[sflag:s4] =	ssyncset.s32 $0xFFFFF086  }
0x25: {  	[simem:s6], [sflag:s4] =	dma.local [hbm:s3], $0xF7A  }
0x26: {  	[smem:$0x3F9B] =	sst s1;
	(tag) =	ssettag s2;
	_ =	strace s9  }
0x27: {  	s1 =	sld [smem:$0x3FAB]  }
0x28: {  	s2 =	sld [smem:$0x3FAC]  }
0x29: {  	s4 =	sld [smem:$0x3FAE]  }
0x2a: {  	p0 =	seq.s32 s5, $0x0;
	s5 =	sld [smem:$0x3FAF]  }
0x2b: {  	s6 =	sld [smem:$0x3FB0]  }
0x2c: {  	s7 =	sld [smem:$0x3FB1]  }
0x2d: {  	s3 =	simm.s32 $0x108;
	s8 =	sld [smem:$0x3FB2]  }
0x2e: {  	s3 =	simm.s32 @!p0 $0x1082;
	s9 =	sld [smem:$0x3FB3]  }
0x2f: {  	lr =	sadd.s32 s0, s3;
	s0 =	sld [smem:$0x3FAA]  }
0x30: {  	s3 =	sld [smem:$0x3FAD]  }
0x31: {  	[smem:$0x3FB6] =	sst s10  }
0x32: {  	s10 =	sld [smem:$0x3FB4];
	_ =	sdelay $0x3  }
0x33: {  	p0 =	seq.s32 s10, $0x1;
	s10 =	sld [smem:$0x3FB6];
	_ =	sdelay $0x3  }
0x34: {  	[smem:$0x3FB6] =	sst s10  }
0x35: {  	s10 =	sld [smem:$0x3FB5];
	_ =	sdelay $0x3  }
0x36: {  	p1 =	seq.s32 s10, $0x1;
	s10 =	sld [smem:$0x3FB6];
	_ =	sdelay $0x3  }
0x37: {  	[smem:$0x3FB6] =	sst s10  }
0x38: {  	s10 =	sld [smem:$0x3FB7]  }
0x39: {  	_ = 	snop;
	(pc) =	sbr.ind lr, $3  }
0x3a: {  	_ = 	snop  }
0x3b: {  	_ = 	snop  }
0x3c: {  	p2 =	seq.s32 s10, $0x1;
	s10 =	sld [smem:$0x3FB6]  }
0x3d: {  	_ =	shalt  }
0x3e: {  	_ =	shalt  }
0x3f: {  	_ =	shalt  }
0x40: {  	_ =	shalt  }
0x41: {  	_ =	shalt  }
0x42: {  	_ =	shalt  }
0x43: {  	_ =	shalt  }
0x44: {  	_ =	shalt  }
0x45: {  	_ =	shalt  }
0x46: {  	_ =	shalt  }
0x47: {  	_ =	shalt  }
0x48: {  	_ =	shalt  }
0x49: {  	_ =	shalt  }
0x4a: {  	_ =	shalt  }
0x4b: {  	_ =	shalt  }
0x4c: {  	_ =	shalt  }
0x4d: {  	_ =	shalt  }
0x4e: {  	_ =	shalt  }
0x4f: {  	_ =	shalt  }
0x50: {  	_ =	shalt  }
0x51: {  	_ =	shalt  }
0x52: {  	_ =	shalt  }
0x53: {  	_ =	shalt  }
0x54: {  	_ =	shalt  }
0x55: {  	_ =	shalt  }
0x56: {  	_ =	shalt  }
0x57: {  	_ =	shalt  }
0x58: {  	_ =	shalt  }
0x59: {  	_ =	shalt  }
0x5a: {  	_ =	shalt  }
0x5b: {  	_ =	shalt  }
0x5c: {  	_ =	shalt  }
0x5d: {  	_ =	shalt  }
0x5e: {  	_ =	shalt  }
0x5f: {  	_ =	shalt  }
0x60: {  	_ =	shalt  }
0x61: {  	_ =	shalt  }
0x62: {  	_ =	shalt  }
0x63: {  	_ =	shalt  }
0x64: {  	_ =	shalt  }
0x65: {  	_ =	shalt  }
0x66: {  	_ =	shalt  }
0x67: {  	_ =	shalt  }
0x68: {  	_ =	shalt  }
0x69: {  	_ =	shalt  }
0x6a: {  	_ =	shalt  }
0x6b: {  	_ =	shalt  }
0x6c: {  	_ =	shalt  }
0x6d: {  	_ =	shalt  }
0x6e: {  	_ =	shalt  }
0x6f: {  	_ =	shalt  }
0x70: {  	_ =	shalt  }
0x71: {  	_ =	shalt  }
0x72: {  	_ =	shalt  }
0x73: {  	_ =	shalt  }
0x74: {  	_ =	shalt  }
0x75: {  	_ =	shalt  }
0x76: {  	_ =	shalt  }
0x77: {  	_ =	shalt  }
0x78: {  	_ =	shalt  }
0x79: {  	_ =	shalt  }
0x7a: {  	_ =	shalt  }
0x7b: {  	_ =	shalt  }
0x7c: {  	_ =	shalt  }
0x7d: {  	_ =	shalt  }
0x7e: {  	_ =	shalt  }
0x7f: {  	_ =	shalt  }
0x80: {  	_ =	shalt  }
0x81: {  	_ =	shalt  }
0x82: {  	_ =	shalt  }
0x83: {  	_ =	shalt  }
0x84: {  	_ =	shalt  }
0x85: {  	_ =	shalt  }
0x86: {  	_ =	shalt  }
0x87: {  	_ =	shalt  }
.Lfunc_end0:
.L_simem_size_0:
called_computation.1_lowered:
.L_overlay_start_0:
0x88: {  	s2 =	sld [smem:$0x3FD9]  }
0x89: {  	s3 =	sld [smem:$0x3FFE];
	_ =	sdelay $0x1  }
0x8a: {  	s1 =	srdreg.scid  }
0x8b: {  	s0 =	sand.u32 $0x1, s1  }
0x8c: {  	s16 =	sshll.u32 s0, $0xA;
	s2 =	sadd.s32 s3, s2  }
0x8d: {  	s2 =	sadd.s32 s2, s16  }
0x8e: {  	[smem:$0x3FC2] =	sst s2  }
0x8f: {  	_ = 	snop  }
0x90: {  	(tm) =	ssettm $0x1  }
0x91: {  	s17 =	sld [smem:$0x3FFB];
	_ =	sdelay $0x3  }
0x92: {  	_ =	strace s17  }
0x93: {  	s2 =	sld [smem:$0x3FFC];
	_ =	sdelay $0x3  }
0x94: {  	_ =	strace s2  }
0x95: {  	s2 =	sld [smem:$0x3FFD];
	_ =	sdelay $0x3  }
0x96: {  	_ =	strace s2  }
0x97: {  	_ =	strace $0x8FFFFFFF  }
0x98: {  	s18 =	sld [smem:$0x3FDB];
	_ =	sdelay $0x1  }
0x99: {  	s19 =	simm.s32 $_scs_section_size  }
0x9a: {  	s4 =	simm.s32 $_size__tile_overlayer_lowered;
	s5 =	simm.s32 $_tile_overlayer_lowered  }
0x9b: {  	s22 =	simm.s32 $0x1BFF;
	s21 =	sshll.u32 s5, $0x1;
	s2 =	sadd.s32 s19, s18  }
0x9c: {  	s6 =	simm.s32 $0x0;
	s20 =	sshll.u32 s4, $0x1;
	s4 =	sadd.s32 s21, s2  }
0x9d: {  	[timem:s6], [sflag:s22] =	dma.local [hbm:s4], s20  }
0x9e: {  	_ =	swait.ge [sflag:s22], s20  }
0x9f: {  	s3 =	ssub.s32 $0x0, s20;
	[sflag:s22] =	ssyncset.done $0x0  }
0xa0: {  	[sflag:s22] =	ssyncadd.s32 s3;
	_ =	sdelay $0x1  }
0xa1: {  	s23 =	simm.s32 $0x1B8B  }
0xa2: {  	_ =	swait.ge [sflag:s23], $0x1  }
0xa3: {  	[sflag:s23] =	ssyncset.done $0x0  }
0xa4: {  	s25 =	simm.s32 $0x1B8E;
	s24 =	sld [smem:$0x3FFE];
	[sflag:s23] =	ssyncadd.s32 $0xFFFFFFFF  }
0xa5: {  	s26 =	simm.s32 $execute0_lowered;
	[smem:$0x3FD2] =	sst s25  }
0xa6: {  	s4 =	sshll.u32 s26, $0x1;
	_ =	strace $0x80000049;
	[dreg:$0x1] =	wrdreg $0xFFFFFFFF  }
0xa7: {  	s28 =	simm.s32 $_size_execute0_lowered;
	s2 =	sadd.s32 s2, s4;
	[dreg:$0x0] =	wrdreg $0x0  }
0xa8: {  	s4 =	sshll.u32 s28, $0x1;
	[dreg:$0x2] =	wrdreg s2  }
0xa9: {  	[dreg:$0x3] =	wrdreg s4  }
0xaa: {  	[dreg:$0x4] =	wrdreg $0xC0  }
0xab: {  	_ =	task [dreg:s6], $0x5FFFF  }
0xac: {  	[dreg:$0x1] =	wrdreg $0xFFFFFFFF  }
0xad: {  	[dreg:$0x0] =	wrdreg $0x60  }
0xae: {  	[dreg:$0x2] =	wrdreg s24  }
0xaf: {  	[dreg:$0x3] =	wrdreg $0xAD800  }
0xb0: {  	[dreg:$0x4] =	wrdreg $0x1ED800  }
0xb1: {  	[dreg:$0x5] =	wrdreg $0x9  }
0xb2: {  	_ =	task.clear_ibuf [dreg:s6], $0x6FFFF;
	_ =	strace $0x90000049  }
0xb3: {  	s29 =	simm.s32 $0x9;
	_ =	strace $0x8000004B  }
0xb4: {  	_ =	swait.ge [sflag:s29], $0x1  }
0xb5: {  	[sflag:s29] =	ssyncadd.s32 $0xFFFFFFFF  }
0xb6: {  	_ =	strace $0x9000004B  }
0xb7: {  	_ =	sfence  }
0xb8: {  	s30 =	sld [smem:$0x0];
	_ =	sdelay $0x2  }
0xb9: {  	s31 =	sshll.u32 s1, $0xD;
	s1 =	sshrl.u32 s1, $0x2  }
0xba: {  	s3 =	sand.u32 $0x4000, s31;
	s1 =	sadd.s32 s1, s30  }
0xbb: {  	s0 =	sor.u32 s3, s0;
	s1 =	sshll.u32 s1, $0x11  }
0xbc: {  	s0 =	sor.u32 s1, s0  }
0xbd: {  	s0 =	sadd.s32 $0x8F2B, s0  }
0xbe: {  	[sflag:s0] =	ssyncadd.remote.s32 $0x1  }
0xbf: {  	_ =	sfence.sel $0xFFFF  }
0xc0: {  	[dreg:$0x0] =	wrdreg $0xFFFFFFFF;
	(pc) =	sbr.abs _section_cstart, $3  }
0xc1: {  	[dreg:$0x1] =	wrdreg $0xFFFFFFFF  }
0xc2: {  	_ =	task.clear_ibuf [dreg:s6], $0x2FFFF;
	_ =	strace $0x9FFFFFFF  }
0xc3: {  	(tm) =	ssettm $0x7FFFFFFF  }
tec
execute0_lowered:
.L_overlay_start_1:
0x0: {  	(tag) =	ssettag $0x1  }
0x1: {  	s0 =	srdreg.scid;
	s1 =	rddreg [dreg:$0x0]  }
0x2: {  	s15 =	stileid.u32;
	s2 =	rddreg [dreg:$0x1]  }
0x3: {  	s5 =	simm.s32 $0x0;
	s28 =	simm.s32 $0x1;
	s29 =	simm.s32 $0x2  }
0x4: {  	s30 =	simm.s32 $0x6B00;
	s31 =	simm.s32 $0x2A80;
	s10 =	smul.u32 $0x14000, s15  }
0x5: {  	s21 =	simm.s32 $0x3;
	s0 =	sand.u32 $0x1, s0;
	s12 =	smul.u32 $0x500, s15  }
0x6: {  	[smem:$0x7FF] =	sst s5;
	s6 =	sadd.s32 $0x1E00, s1;
	s22 =	smul.u32 $0x50000, s15  }
0x7: {  	s7 =	sadd.s32 $0x15E00, s1;
	s3 =	sshll.u32 s0, $0x4;
	s8 =	smul.u32 $0x140000, s0  }
0x8: {  	s13 =	sshll.u32 s0, $0x7;
	s0 =	ssub.s32 $0x2, s0;
	s4 =	sor.u32 s15, s3  }
0x9: {  	s3 =	rddreg [dreg:$0x2];
	_ =	strace $0x8000004A;
	s12 =	sor.u32 s13, s12  }
0xa: {  	s14 =	sshrl.u32 s0, $0x1;
	s15 =	smul.u32 $0xA00, s15;
	s24 =	sshrl.u32 s22, $0x2  }
0xb: {  	s22 =	simm.s32 $0x4;
	s4 =	smul.u32 $0x2800, s4;
	s10 =	sadd.s32 s10, s8  }
0xc: {  	s8 =	sadd.s32 $0x3DE00, s1;
	s12 =	sshrl.u32 s12, $0x3;
	s0 =	ssub.s32 s0, s14  }
0xd: {  	s10 =	sshrl.u32 s10, $0x3;
	s25 =	sshrl.u32 s15, $0x2;
	s0 =	smax.u32 s0, $0x1  }
0xe: {  	s9 =	sshrl.u32 s4, $0x3;
	s16 =	sadd.s32 s10, s1;
	s10 =	sadd.s32 s24, s2  }
0xf: {  	[dreg:$0x8] =	wrdreg s0;
	s24 =	simm.s32 $0x180;
	s0 =	simm.s32 $0x0  }
0x10: {  	s11 =	sadd.s32 s9, s1;
	s1 =	sadd.s32 s12, s1;
	s12 =	sadd.s32 s6, s9  }
0x11: {  	s26 =	sadd.s32 $0x3EE00, s16;
	s17 =	sadd.s32 $0x4000, s10;
	s18 =	sadd.s32 $0x8000, s10  }
.Ltmp0:
0x12: {  	s19 =	sadd.s32 $0xC000, s10;
	s20 =	sadd.s32 $0x10000, s10;
	(pc) =	sbr.rel .LBB2_1-.Ltmp0, $4  }
0x13: {  	s23 =	sadd.s32 $0xBE00, s11;
	s11 =	sadd.s32 s25, s3;
	[dreg:$0x6] =	wrdreg s26  }
0x14: {  	s9 =	sadd.s32 $0x10, s12;
	s1 =	sadd.s32 $0x3E400, s1;
	[dreg:$0x4] =	wrdreg s23  }
0x15: {  	s25 =	simm.s32 $0x80;
	s26 =	simm.s32 $0x2A00;
	[dreg:$0x5] =	wrdreg s9  }
0x16: {  	v0 =	vimm.f32 $0.0e+00;
	[dreg:$0x7] =	wrdreg s1;
	s23 =	simm.s32 $0x2B00;
	s1 =	simm.s32 $0x100  }
.LBB2_6:
0x17: {  	[spmem:s2] =	stream.indirect.scatter.add.f32 [tilespmem:s30], [sflag:$0x3], $0x80, s14, s25, $0xb8;
	[tilespmem:$0x1F000] =	vst v63  }
0x18: {  	_ = 	snop  }
0x19: {  	[spmem:s3] =	stream.indirect.scatter.add.f32 [tilespmem:s31], [sflag:$0x3], $0x1, s24, s25, $0xb8;
	[tilespmem:$0x1F000] =	vst v63  }
0x1a: {  	_ =	swait.ge [sflag:s21], $0x4000  }
0x1b: {  	[sflag:s21] =	ssyncset.done $0x0  }
0x1c: {  	[sflag:s21] =	ssyncadd.s32 $0xFFFFC000  }
0x1d: {  	_ =	swait.ge [sflag:s21], $0x80  }
0x1e: {  	[sflag:s21] =	ssyncset.done $0x0  }
0x1f: {  	s9 =	stileid.u32;
	[sflag:s21] =	ssyncadd.s32 $0xFFFFFF80  }
0x20: {  	s9 =	sshll.u32 s9, $0x6;
	[bflag:$0x0] =	sbarrier.arrive $0xFFFF  }
0x21: {  	s13 =	sshrl.u32 s10, $0x3;
	s9 =	sor.u32 $0x1C04, s9;
	s15 =	rddreg [dreg:$0x6]  }
0x22: {  	[hbm:s15], [sflag:s9] =	dma.local [spmem:s13], $0x2800  }
0x23: {  	_ =	swait.ge [sflag:s22], $0x2800  }
0x24: {  	s16 =	simm.s32 $0x10;
	s13 =	sshrl.u32 s11, $0x3;
	[sflag:s22] =	ssyncset.done $0x0  }
0x25: {  	s15 =	simm.s32 $0x20;
	s14 =	rddreg [dreg:$0x7];
	[sflag:s22] =	ssyncadd.s32 $0xFFFFD800  }
0x26: {  	[hbm:s14@s15], [sflag:s9] =	dma.strided [spmem:s13@s16], $0x50, s28, $0x10   }
0x27: {  	_ =	swait.ge [sflag:s22], $0x50  }
0x28: {  	s0 =	sadd.s32 $0x1, s0;
	s16 =	rddreg [dreg:$0x8]  }
0x29: {  	p0 =	sne.s32 s0, s16  }
.Ltmp1:
0x2a: {  	_ = 	snop;
	(pc) =	sbr.rel @!p0 .LBB2_7-.Ltmp1, $3  }
0x2b: {  	_ =	sdelay $0x1  }
0x2c: {  	[sflag:s22] =	ssyncset.done $0x0  }
0x2d: {  	[sflag:s22] =	ssyncadd.s32 $0xFFFFFFB0  }
.LBB2_1:
0x2e: {  	s9 =	rddreg [dreg:$0x4];
	s13 =	simm.s32 $0x200  }
0x2f: {  	[tilespmem:s13], [sflag:$0x4] =	stream.linear.gather [hbm4b:s9+s5], $0x2800, $0x38;
	[tilespmem:$0x1F000] =	vst v63  }
0x30: {  	_ =	swait.ge [sflag:s22], $0x2800  }
0x31: {  	[sflag:s22] =	ssyncset.done $0x0  }
0x32: {  	s9 =	simm.s32 $0x0;
	s13 =	simm.s32 $0x200;
	[sflag:s22] =	ssyncadd.s32 $0xFFFFD800  }
.LBB2_2:
0x33: {  	p0 =	sne.s32 s13, $0xFE00;
	[tilespmem:s9+$0x2B70] =	vst v0  }
0x34: {  	[tilespmem:s9+$0x2B00] =	vst v0  }
0x35: {  	[tilespmem:s9+$0x2B10] =	vst v0  }
.Ltmp2:
0x36: {  	[tilespmem:s9+$0x2B20] =	vst v0;
	(pc) =	sbr.rel @p0 .LBB2_2-.Ltmp2, $4  }
0x37: {  	[tilespmem:s9+$0x2B30] =	vst v0  }
0x38: {  	[tilespmem:s9+$0x2B40] =	vst v0  }
0x39: {  	[tilespmem:s9+$0x2B50] =	vst v0  }
0x3a: {  	[tilespmem:s9+$0x2B60] =	vst v0;
	s9 =	sshra.s32 s13, $0x2;
	s13 =	sadd.s32 $0x200, s13  }
0x3b: {  	[tilespmem:s9+$0x2B70] =	vst v0  }
0x3c: {  	[tilespmem:s9+$0x2B00] =	vst v0  }
0x3d: {  	[tilespmem:s9+$0x2B10] =	vst v0  }
0x3e: {  	[tilespmem:s9+$0x2B20] =	vst v0  }
0x3f: {  	[tilespmem:s9+$0x2B30] =	vst v0  }
0x40: {  	[tilespmem:s9+$0x2B40] =	vst v0  }
0x41: {  	[tilespmem:s9+$0x2B50] =	vst v0  }
0x42: {  	[tilespmem:s9+$0x2B60] =	vst v0  }
0x43: {  	[tilespmem:$0xAB00] =	vst v0  }
0x44: {  	[tilespmem:$0xAB10] =	vst v0  }
0x45: {  	[tilespmem:$0xAB20] =	vst v0  }
0x46: {  	[tilespmem:$0xAB30] =	vst v0  }
0x47: {  	[tilespmem:$0xAB40] =	vst v0  }
0x48: {  	[tilespmem:$0xAB50] =	vst v0  }
0x49: {  	[tilespmem:$0xAB60] =	vst v0  }
0x4a: {  	[tilespmem:$0xAB70] =	vst v0  }
0x4b: {  	[tilespmem:$0xAB80] =	vst v0  }
0x4c: {  	[tilespmem:$0xAB90] =	vst v0  }
0x4d: {  	[tilespmem:$0xABA0] =	vst v0  }
0x4e: {  	[tilespmem:$0xABB0] =	vst v0  }
0x4f: {  	[tilespmem:$0xABC0] =	vst v0  }
0x50: {  	[tilespmem:$0xABD0] =	vst v0  }
0x51: {  	[tilespmem:$0xABE0] =	vst v0  }
0x52: {  	[tilespmem:$0xABF0] =	vst v0  }
0x53: {  	[tilespmem:$0xAC00] =	vst v0  }
0x54: {  	[tilespmem:$0xAC10] =	vst v0  }
0x55: {  	[tilespmem:$0xAC20] =	vst v0  }
0x56: {  	[tilespmem:$0xAC30] =	vst v0  }
0x57: {  	[tilespmem:$0xAC40] =	vst v0  }
0x58: {  	[tilespmem:$0xAC50] =	vst v0  }
0x59: {  	[tilespmem:$0xAC60] =	vst v0  }
0x5a: {  	[tilespmem:$0xAC70] =	vst v0  }
0x5b: {  	[tilespmem:$0xAC80] =	vst v0  }
0x5c: {  	[tilespmem:$0xAC90] =	vst v0  }
0x5d: {  	[tilespmem:$0xACA0] =	vst v0  }
0x5e: {  	[tilespmem:$0xACB0] =	vst v0  }
0x5f: {  	[tilespmem:$0xACC0] =	vst v0  }
0x60: {  	[tilespmem:$0xACD0] =	vst v0  }
0x61: {  	[tilespmem:$0xACE0] =	vst v0  }
0x62: {  	[tilespmem:$0xACF0] =	vst v0  }
0x63: {  	[tilespmem:$0xAD00] =	vst v0  }
0x64: {  	[tilespmem:$0xAD10] =	vst v0  }
0x65: {  	[tilespmem:$0xAD20] =	vst v0  }
0x66: {  	[tilespmem:$0xAD30] =	vst v0  }
0x67: {  	[tilespmem:$0xAD40] =	vst v0  }
0x68: {  	[tilespmem:$0xAD50] =	vst v0  }
0x69: {  	[tilespmem:$0xAD60] =	vst v0  }
0x6a: {  	[tilespmem:$0xAD70] =	vst v0  }
0x6b: {  	[spmem:s10] =	stream.linear.scatter [tilespmem:s23], [sflag:$0x4], $0x4000, $0x38;
	[tilespmem:$0x1F000] =	vst v63  }
0x6c: {  	_ =	swait.ge [sflag:s22], $0x4000  }
0x6d: {  	[sflag:s22] =	ssyncset.done $0x0  }
0x6e: {  	[sflag:s22] =	ssyncadd.s32 $0xFFFFC000  }
0x6f: {  	[spmem:s17] =	stream.linear.scatter [tilespmem:s23], [sflag:$0x4], $0x4000, $0x38;
	[tilespmem:$0x1F000] =	vst v63  }
0x70: {  	_ =	swait.ge [sflag:s22], $0x4000  }
0x71: {  	[sflag:s22] =	ssyncset.done $0x0  }
0x72: {  	[sflag:s22] =	ssyncadd.s32 $0xFFFFC000  }
0x73: {  	[spmem:s18] =	stream.linear.scatter [tilespmem:s23], [sflag:$0x4], $0x4000, $0x38;
	[tilespmem:$0x1F000] =	vst v63  }
0x74: {  	_ =	swait.ge [sflag:s22], $0x4000  }
0x75: {  	[sflag:s22] =	ssyncset.done $0x0  }
0x76: {  	[sflag:s22] =	ssyncadd.s32 $0xFFFFC000  }
0x77: {  	[spmem:s19] =	stream.linear.scatter [tilespmem:s23], [sflag:$0x4], $0x4000, $0x38;
	[tilespmem:$0x1F000] =	vst v63  }
0x78: {  	_ =	swait.ge [sflag:s22], $0x4000  }
0x79: {  	[sflag:s22] =	ssyncset.done $0x0  }
0x7a: {  	[sflag:s22] =	ssyncadd.s32 $0xFFFFC000  }
0x7b: {  	[spmem:s20] =	stream.linear.scatter [tilespmem:s23], [sflag:$0x4], $0x4000, $0x38;
	[tilespmem:$0x1F000] =	vst v63  }
0x7c: {  	_ =	swait.ge [sflag:s22], $0x4000  }
0x7d: {  	[sflag:s22] =	ssyncset.done $0x0  }
0x7e: {  	s16 =	simm.s32 $0xAB00;
	[sflag:s22] =	ssyncadd.s32 $0xFFFFC000  }
0x7f: {  	[spmem:s11] =	stream.linear.scatter [tilespmem:s16], [sflag:$0x4], $0x280, $0x38;
	[tilespmem:$0x1F000] =	vst v63  }
0x80: {  	_ =	swait.ge [sflag:s22], $0x280  }
0x81: {  	[sflag:s22] =	ssyncset.done $0x0  }
0x82: {  	[sflag:s22] =	ssyncadd.s32 $0xFFFFFD80  }
0x83: {  	[tilespmem:s5], [sflag:$0x4] =	stream.linear.gather [hbm4b:s12+s5], $0x80, $0x38;
	[tilespmem:$0x1F000] =	vst v63  }
0x84: {  	_ =	swait.ge [sflag:s22], $0x80  }
0x85: {  	[sflag:s22] =	ssyncset.done $0x0  }
0x86: {  	[sflag:s22] =	ssyncadd.s32 $0xFFFFFF80  }
0x87: {  	[bflag:$0x0] =	sbarrier.arrive $0xFFFF  }
0x88: {  	[tilespmem:s23], [sflag:$0x1] =	stream.indirect.gather [hbm4b:s7+s25], $0x80, s5, s25, $0xb8;
	[tilespmem:$0x1F000] =	vst v63  }
0x89: {  	s9 =	simm.s32 $0x200  }
0x8a: {  	[tilespmem:s26], [sflag:$0x1] =	stream.indirect.gather [hbm4b:s8+s25], $0x1, s9, s25, $0xb8;
	[tilespmem:$0x1F000] =	vst v63  }
0x8b: {  	s13 =	rddreg [dreg:$0x5]  }
0x8c: {  	[tilespmem:s25], [sflag:$0x2] =	stream.linear.gather [hbm4b:s13+s5], $0x80, $0x38;
	[tilespmem:$0x1F000] =	vst v63  }
0x8d: {  	s13 =	simm.s32 $0x280  }
.LBB2_4:
0x8e: {  	_ =	swait.ge [sflag:s28], $0x4000  }
0x8f: {  	[sflag:s28] =	ssyncset.done $0x0  }
0x90: {  	[sflag:s28] =	ssyncadd.s32 $0xFFFFC000  }
0x91: {  	_ =	swait.ge [sflag:s28], $0x80  }
0x92: {  	p0 =	seq.s32 s13, $0x280;
	[sflag:s28] =	ssyncset.done $0x0  }
0x93: {  	s14 =	simm.s32 @!p0 $0x3;
	[sflag:s28] =	ssyncadd.s32 $0xFFFFFF80  }
0x94: {  	_ =	swait.ge @!p0 [sflag:s14], $0x4000  }
0x95: {  	[sflag:s14] =	ssyncset.done @!p0 $0x0  }
0x96: {  	[sflag:s14] =	ssyncadd.s32 @!p0 $0xFFFFC000  }
0x97: {  	_ =	swait.ge @!p0 [sflag:s14], $0x80  }
0x98: {  	[sflag:s14] =	ssyncset.done @!p0 $0x0  }
0x99: {  	[sflag:s14] =	ssyncadd.s32 @!p0 $0xFFFFFF80  }
0x9a: {  	_ =	swait.ge [sflag:s29], $0x80  }
0x9b: {  	s15 =	sadd.s32 $0xFFFFFD80, s13;
	[sflag:s29] =	ssyncset.done $0x0  }
0x9c: {  	s16 =	sadd.s32 $0xFFFFFE80, s13;
	s15 =	sand.u32 $0x3C00, s15;
	[sflag:s29] =	ssyncadd.s32 $0xFFFFFF80  }
0x9d: {  	[tilespmem:s30], [sflag:$0x1] =	stream.indirect.gather [hbm4b:s7+s25], $0x80, s25, s25, $0xb8;
	[tilespmem:$0x1F000] =	vst v63  }
0x9e: {  	s16 =	sand.u32 $0x300, s16;
	s15 =	sadd.s32 s4, s15;
	s14 =	sadd.s32 $0x80, s9  }
0x9f: {  	[tilespmem:s31], [sflag:$0x1] =	stream.indirect.gather [hbm4b:s8+s25], $0x1, s14, s25, $0xb8;
	[tilespmem:$0x1F000] =	vst v63  }
0xa0: {  	s16 =	sor.u32 s15, s16  }
0xa1: {  	[spmem:s2] =	stream.indirect.scatter.add.f32 [tilespmem:s23], [sflag:$0x3], $0x80, s9, s25, $0xb8;
	[tilespmem:$0x1F000] =	vst v63  }
0xa2: {  	s16 =	sshrl.u32 s16, $0x3  }
0xa3: {  	[spmem:s3] =	stream.indirect.scatter.add.f32 [tilespmem:s26], [sflag:$0x3], $0x1, s5, s25, $0xb8;
	[tilespmem:$0x1F000] =	vst v63  }
0xa4: {  	s16 =	sadd.s32 s6, s16  }
0xa5: {  	[tilespmem:s1], [sflag:$0x2] =	stream.linear.gather [hbm4b:s16+s5], $0x80, $0x38;
	[tilespmem:$0x1F000] =	vst v63  }
0xa6: {  	_ =	swait.ge [sflag:s28], $0x4000  }
0xa7: {  	[sflag:s28] =	ssyncset.done $0x0  }
0xa8: {  	[sflag:s28] =	ssyncadd.s32 $0xFFFFC000  }
0xa9: {  	_ =	swait.ge [sflag:s28], $0x80  }
0xaa: {  	[sflag:s28] =	ssyncset.done $0x0  }
0xab: {  	[sflag:s28] =	ssyncadd.s32 $0xFFFFFF80  }
0xac: {  	_ =	swait.ge [sflag:s21], $0x4000  }
0xad: {  	[sflag:s21] =	ssyncset.done $0x0  }
0xae: {  	[sflag:s21] =	ssyncadd.s32 $0xFFFFC000  }
0xaf: {  	_ =	swait.ge [sflag:s21], $0x80  }
0xb0: {  	[sflag:s21] =	ssyncset.done $0x0  }
0xb1: {  	[sflag:s21] =	ssyncadd.s32 $0xFFFFFF80  }
0xb2: {  	_ =	swait.ge [sflag:s29], $0x80  }
0xb3: {  	[sflag:s29] =	ssyncset.done $0x0  }
0xb4: {  	[sflag:s29] =	ssyncadd.s32 $0xFFFFFF80  }
0xb5: {  	[tilespmem:s23], [sflag:$0x1] =	stream.indirect.gather [hbm4b:s7+s25], $0x80, s1, s25, $0xb8;
	[tilespmem:$0x1F000] =	vst v63  }
0xb6: {  	s16 =	sadd.s32 $0x100, s9  }
0xb7: {  	[tilespmem:s26], [sflag:$0x1] =	stream.indirect.gather [hbm4b:s8+s25], $0x1, s16, s25, $0xb8;
	[tilespmem:$0x1F000] =	vst v63  }
0xb8: {  	_ = 	snop  }
0xb9: {  	[spmem:s2] =	stream.indirect.scatter.add.f32 [tilespmem:s30], [sflag:$0x3], $0x80, s14, s25, $0xb8;
	[tilespmem:$0x1F000] =	vst v63  }
0xba: {  	s14 =	sadd.s32 $0xFFFFFF00, s13  }
0xbb: {  	s14 =	sand.u32 $0x380, s14  }
0xbc: {  	[spmem:s3] =	stream.indirect.scatter.add.f32 [tilespmem:s31], [sflag:$0x3], $0x1, s25, s25, $0xb8;
	[tilespmem:$0x1F000] =	vst v63  }
0xbd: {  	s14 =	sor.u32 s15, s14  }
0xbe: {  	s14 =	sshrl.u32 s14, $0x3  }
0xbf: {  	s14 =	sadd.s32 s6, s14  }
0xc0: {  	[tilespmem:s24], [sflag:$0x2] =	stream.linear.gather [hbm4b:s14+s5], $0x80, $0x38;
	[tilespmem:$0x1F000] =	vst v63  }
0xc1: {  	_ =	swait.ge [sflag:s28], $0x4000  }
0xc2: {  	[sflag:s28] =	ssyncset.done $0x0  }
0xc3: {  	[sflag:s28] =	ssyncadd.s32 $0xFFFFC000  }
0xc4: {  	_ =	swait.ge [sflag:s28], $0x80  }
0xc5: {  	[sflag:s28] =	ssyncset.done $0x0  }
0xc6: {  	[sflag:s28] =	ssyncadd.s32 $0xFFFFFF80  }
0xc7: {  	_ =	swait.ge [sflag:s21], $0x4000  }
0xc8: {  	[sflag:s21] =	ssyncset.done $0x0  }
0xc9: {  	[sflag:s21] =	ssyncadd.s32 $0xFFFFC000  }
0xca: {  	_ =	swait.ge [sflag:s21], $0x80  }
0xcb: {  	[sflag:s21] =	ssyncset.done $0x0  }
0xcc: {  	[sflag:s21] =	ssyncadd.s32 $0xFFFFFF80  }
0xcd: {  	_ =	swait.ge [sflag:s29], $0x80  }
0xce: {  	[sflag:s29] =	ssyncset.done $0x0  }
0xcf: {  	[sflag:s29] =	ssyncadd.s32 $0xFFFFFF80  }
0xd0: {  	[tilespmem:s30], [sflag:$0x1] =	stream.indirect.gather [hbm4b:s7+s25], $0x80, s24, s25, $0xb8;
	[tilespmem:$0x1F000] =	vst v63  }
0xd1: {  	p0 =	seq.s32 s13, $0x2880;
	s14 =	sadd.s32 $0x180, s9  }
0xd2: {  	[tilespmem:s31], [sflag:$0x1] =	stream.indirect.gather [hbm4b:s8+s25], $0x1, s14, s25, $0xb8;
	[tilespmem:$0x1F000] =	vst v63  }
0xd3: {  	s15 =	sadd.s32 @!p0 $0xFFFFFF80, s13  }
0xd4: {  	[spmem:s2] =	stream.indirect.scatter.add.f32 [tilespmem:s23], [sflag:$0x3], $0x80, s16, s25, $0xb8;
	[tilespmem:$0x1F000] =	vst v63  }
0xd5: {  	s16 =	sand.u32 @!p0 $0x7C00, s15  }
0xd6: {  	s15 =	sand.u32 @!p0 $0x200, s15;
	s16 =	sadd.s32 @!p0 s4, s16  }
0xd7: {  	[spmem:s3] =	stream.indirect.scatter.add.f32 [tilespmem:s26], [sflag:$0x3], $0x1, s1, s25, $0xb8;
	[tilespmem:$0x1F000] =	vst v63  }
0xd8: {  	s15 =	sor.u32 @!p0 s15, s16  }
0xd9: {  	s15 =	sshrl.u32 @!p0 s15, $0x3  }
0xda: {  	s16 =	simm.s32 @!p0 $0x0;
	s15 =	sadd.s32 @!p0 s6, s15  }
0xdb: {  	[tilespmem:s16], [sflag:$0x2] =	stream.linear.gather @!p0 [hbm4b:s15+s16], $0x80, $0x38;
	[tilespmem:$0x1F000] =	vst v63  }
0xdc: {  	_ =	swait.ge [sflag:s28], $0x4000  }
0xdd: {  	[sflag:s28] =	ssyncset.done $0x0  }
0xde: {  	[sflag:s28] =	ssyncadd.s32 $0xFFFFC000  }
0xdf: {  	_ =	swait.ge [sflag:s28], $0x80  }
0xe0: {  	[sflag:s28] =	ssyncset.done $0x0  }
0xe1: {  	[sflag:s28] =	ssyncadd.s32 $0xFFFFFF80  }
0xe2: {  	_ =	swait.ge [sflag:s21], $0x4000  }
.Ltmp3:
0xe3: {  	[sflag:s21] =	ssyncset.done $0x0;
	(pc) =	sbr.rel @p0 .LBB2_6-.Ltmp3, $4  }
0xe4: {  	[sflag:s21] =	ssyncadd.s32 $0xFFFFC000  }
0xe5: {  	_ =	swait.ge [sflag:s21], $0x80  }
0xe6: {  	[sflag:s21] =	ssyncset.done $0x0  }
0xe7: {  	[sflag:s21] =	ssyncadd.s32 $0xFFFFFF80  }
0xe8: {  	_ =	swait.ge [sflag:s29], $0x80  }
0xe9: {  	[sflag:s29] =	ssyncset.done $0x0  }
0xea: {  	[sflag:s29] =	ssyncadd.s32 $0xFFFFFF80  }
0xeb: {  	[tilespmem:s23], [sflag:$0x1] =	stream.indirect.gather [hbm4b:s7+s25], $0x80, s5, s25, $0xb8;
	[tilespmem:$0x1F000] =	vst v63  }
0xec: {  	s9 =	sadd.s32 $0x200, s9  }
0xed: {  	[tilespmem:s26], [sflag:$0x1] =	stream.indirect.gather [hbm4b:s8+s25], $0x1, s9, s25, $0xb8;
	[tilespmem:$0x1F000] =	vst v63  }
0xee: {  	s16 =	sand.u32 $0x7C00, s13  }
0xef: {  	[spmem:s2] =	stream.indirect.scatter.add.f32 [tilespmem:s30], [sflag:$0x3], $0x80, s14, s25, $0xb8;
	[tilespmem:$0x1F000] =	vst v63  }
0xf0: {  	s15 =	sand.u32 $0x280, s13;
	s14 =	sadd.s32 s4, s16  }
.Ltmp4:
0xf1: {  	s14 =	sor.u32 s15, s14;
	(pc) =	sbr.rel .LBB2_4-.Ltmp4, $4  }
0xf2: {  	[spmem:s3] =	stream.indirect.scatter.add.f32 [tilespmem:s31], [sflag:$0x3], $0x1, s24, s25, $0xb8;
	[tilespmem:$0x1F000] =	vst v63  }
0xf3: {  	s14 =	sshrl.u32 s14, $0x3  }
0xf4: {  	s13 =	sadd.s32 $0x200, s13;
	s14 =	sadd.s32 s6, s14  }
0xf5: {  	[tilespmem:s25], [sflag:$0x2] =	stream.linear.gather [hbm4b:s14+s5], $0x80, $0x38;
	[tilespmem:$0x1F000] =	vst v63  }
.LBB2_7:
0xf6: {  	_ =	sfence.sel $0x180000  }
0xf7: {  	[bflag:$0x0] =	sbarrier.arrive $0xFFFF  }
0xf8: {  	_ =	strace $0x9000004A  }
0xf9: {  	s0 =	stileid.u32;
	[bflag:$0x2] =	sbarrier.arrive $0xFFFF  }
0xfa: {  	p0 =	sne.s32 s0, $0x0;
	s0 =	rddreg [dreg:$0x3]  }
0xfb: {  	s0 =	sadd.s32 @!p0 $0x100000, s0  }
0xfc: {  	[sflag:s0] =	ssyncadd.tile.s32 @!p0 $0x1;
	_ =	shalt  }
.Lfunc_end2:
_tile_overlayer_lowered:
.L_overlay_start_2:
0xfd: {  	(tag) =	ssettag $0x2  }
0xfe: {  	s0 =	rddreg [dreg:$0x0];
	s2 =	stileid.u32  }
0xff: {  	s1 =	rddreg [dreg:$0x1];
	p0 =	sne.s32 s2, $0x0  }
0x100: {  	s3 =	rddreg [dreg:$0x2];
	[bflag:$0x3] =	sbarrier.arrive $0xFFFF;
	s2 =	simm.s32 @!p0 $0x1C04  }
0x101: {  	[timem:s3], [sflag:s2] =	dma.local @!p0 [hbm:s0], s1  }
0x102: {  	s0 =	simm.s32 @!p0 $0x4  }
0x103: {  	_ =	swait.ge @!p0 [sflag:s0], s1  }
0x104: {  	s1 =	ssub.s32 @!p0 $0x0, s1;
	[sflag:s0] =	ssyncset.done @!p0 $0x0  }
0x105: {  	[sflag:s0] =	ssyncadd.s32 @!p0 s1  }
0x106: {  	[bflag:$0x3] =	sbarrier.arrive $0xFFFF  }
0x107: {  	_ =	shalt  }

</sc_bundles>
